<compile_context>
chip_gen: v7x
topology: tpu7x:2x2x1
jax: 0.10.2.dev20260603
libtpu: 0.0.44.dev20260713+nightly
codegen_flags: <defaults>
</compile_context>

<pallas_src>
import functools

import jax
import jax.numpy as jnp
import numpy as np
from jax import lax
from jax.experimental import pallas as pl
from jax.experimental.pallas import tpu as pltpu
from jax.experimental.pallas import tpu_sc as plsc

_ALPHA = 4


@functools.lru_cache(maxsize=None)
def _slow_indices(T: int) -> tuple:
    n = T // _ALPHA
    i = np.arange(n - 1, dtype=np.float32) / np.float32(n - 1)
    lo, hi = np.float32(0.0), np.float32(T - 1)
    vals = np.concatenate([lo * (np.float32(1.0) - i) + hi * i, [hi]])
    return tuple(int(v) for v in vals.astype(np.int32))


def _copy_body(in_ref, out_ref):
    out_ref[...] = in_ref[...]


def _fast_copy(frames):
    C, T, H, W = frames.shape
    BT = 32
    return pl.pallas_call(
        _copy_body,
        grid=(C, T // BT),
        in_specs=[pl.BlockSpec((1, BT, H, W), lambda c, i: (c, i, 0, 0))],
        out_specs=pl.BlockSpec((1, BT, H, W), lambda c, i: (c, i, 0, 0)),
        out_shape=jax.ShapeDtypeStruct((C, T, H, W), frames.dtype),
        compiler_params=pltpu.CompilerParams(
            dimension_semantics=("arbitrary", "arbitrary")
        ),
    )(frames)


def _slow_gather_sc(frames, sel):
    C, T, H, W = frames.shape
    S = len(sel)
    HH = H // 2

    info = plsc.get_sparse_core_info()
    NW = info.num_cores * info.num_subcores
    n_chunks = C * S * 2
    per_w = n_chunks // NW

    mesh = plsc.VectorSubcoreMesh(core_axis_name="c", subcore_axis_name="s")

    def chunk_coords(chunk):
        r = chunk // 2
        half = chunk % 2
        ch = r // S
        k = r % S
        src_t = functools.reduce(
            lambda acc, i: jnp.where(k == i, sel[i], acc),
            range(S),
            jnp.int32(0),
        )
        return ch, k, src_t, half * HH

    @functools.partial(
        pl.kernel,
        out_type=jax.ShapeDtypeStruct((C, S, H, W), frames.dtype),
        mesh=mesh,
        scratch_types=[
            pltpu.VMEM((HH, W), frames.dtype),
            pltpu.VMEM((HH, W), frames.dtype),
            pltpu.VMEM((HH, W), frames.dtype),
            pltpu.SemaphoreType.DMA,
            pltpu.SemaphoreType.DMA,
            pltpu.SemaphoreType.DMA,
        ],
    )
    def gather(frames_hbm, slow_hbm, buf0, buf1, buf2, sem0, sem1, sem2):
        wid = lax.axis_index("s") * info.num_cores + lax.axis_index("c")
        bufs = (buf0, buf1, buf2)
        sems = (sem0, sem1, sem2)
        coords = [chunk_coords(wid * per_w + j) for j in range(per_w)]
        reads = [
            pltpu.async_copy(
                frames_hbm.at[c_, t_, pl.ds(h0, HH)], bufs[j], sems[j]
            )
            for j, (c_, _, t_, h0) in enumerate(coords)
        ]
        writes = []
        for j, (c_, k_, _, h0) in enumerate(coords):
            reads[j].wait()
            writes.append(
                pltpu.async_copy(
                    bufs[j], slow_hbm.at[c_, k_, pl.ds(h0, HH)], sems[j]
                )
            )
        for wr in writes:
            wr.wait()

    return gather(frames)


def kernel(frames):
    T = frames.shape[1]
    sel = _slow_indices(T)
    slow = _slow_gather_sc(frames, sel)
    fast = _fast_copy(frames)
    return (slow, fast)

# --- scband reference (transcript-rebuilt; emitter-appended) ---
"""Pipeline reference for scband-pack-pathway-custom-19481971654978 (READ-ONLY COPY).

The authoritative reference and input builder live on the scoring server;
editing this copy changes nothing except your own understanding.
"""

import jax, jax.numpy as jnp
import numpy as np

ALPHA = 4

def setup_inputs(seed: int = 0) -> dict:
    key = jax.random.key(seed)
    frames = jax.random.normal(key, (3, 64, 256, 256), dtype=jnp.float32)
    return {"frames": frames}

def reference(frames):
    # PackPathwayCustom.forward: fast pathway = frames; slow pathway = temporal subsample by alpha
    T = frames.shape[1]
    idx = jnp.linspace(0, T - 1, T // ALPHA).astype(jnp.int32)  # matches torch.linspace(...).long() truncation
    slow_pathway = jnp.take(frames, idx, axis=1)
    fast_pathway = frames
    return (slow_pathway, fast_pathway)

if __name__ == "__main__":
    import jax
    _d = setup_inputs()
    print(jax.jit(kernel)(*tuple(_d.values())))

</pallas_src>

<mosaic_0001>
#map = affine_map<(d0, d1) -> (0, 0, 0, 0)>
module attributes {stable_mosaic.version = 14 : i64} {
  func.func @gather(%arg0: i32, %arg1: i32, %arg2: memref<3x64x256x256xf32, #tpu.memory_space<hbm>>, %arg3: memref<3x16x256x256xf32, #tpu.memory_space<hbm>>, %arg4: memref<128x256xf32, #tpu.memory_space<vmem>>, %arg5: memref<128x256xf32, #tpu.memory_space<vmem>>, %arg6: memref<128x256xf32, #tpu.memory_space<vmem>>, %arg7: memref<!tpu.dma_semaphore, #tpu.memory_space<semaphore_mem>>, %arg8: memref<!tpu.dma_semaphore, #tpu.memory_space<semaphore_mem>>, %arg9: memref<!tpu.dma_semaphore, #tpu.memory_space<semaphore_mem>>) attributes {dimension_semantics = [#tpu.dimension_semantics<core_parallel>, #tpu.dimension_semantics<subcore_parallel>], iteration_bounds = array<i64: 2, 16>, scalar_prefetch = 0 : i64, scratch_operands = 6 : i64, tpu.core_type = #tpu.core_type<sc_vector_subcore>, window_params = [{transform_indices = #map}, {transform_indices = #map}]} {
    %mul3A = arith.constant 2 : i32
    %mul3A_0 = arith.muli %arg1, %mul3A : i32
    %add3A = arith.addi %mul3A_0, %arg0 : i32
    %mul3A_1 = arith.constant 3 : i32
    %mul3A_2 = arith.muli %add3A, %mul3A_1 : i32
    %add3A_3 = arith.constant 0 : i32
    %add3A_4 = arith.addi %mul3A_2, %add3A_3 : i32
    %jit3A = arith.constant 2 : i32
    %div3A = arith.divsi %add3A_4, %jit3A : i32
    %sign3A = arith.constant 0 : i32
    %sign3A_5 = arith.cmpi sgt, %add3A_4, %sign3A : i32
    %sign3A_6 = arith.extui %sign3A_5 : i1 to i32
    %sign3A_7 = arith.constant 0 : i32
    %sign3A_8 = arith.cmpi slt, %add3A_4, %sign3A_7 : i32
    %sign3A_9 = arith.extui %sign3A_8 : i1 to i32
    %sign3A_10 = arith.subi %sign3A_6, %sign3A_9 : i32
    %sign3A_11 = arith.constant 0 : i32
    %sign3A_12 = arith.cmpi sgt, %jit3A, %sign3A_11 : i32
    %sign3A_13 = arith.extui %sign3A_12 : i1 to i32
    %sign3A_14 = arith.constant 0 : i32
    %sign3A_15 = arith.cmpi slt, %jit3A, %sign3A_14 : i32
    %sign3A_16 = arith.extui %sign3A_15 : i1 to i32
    %sign3A_17 = arith.subi %sign3A_13, %sign3A_16 : i32
    %ne3A = arith.cmpi ne, %sign3A_10, %sign3A_17 : i32
    %rem3A = arith.remsi %add3A_4, %jit3A : i32
    %ne3A_18 = arith.constant 0 : i32
    %ne3A_19 = arith.cmpi ne, %rem3A, %ne3A_18 : i32
    %and3A = arith.andi %ne3A, %ne3A_19 : i1
    %sub3A = arith.constant 1 : i32
    %sub3A_20 = arith.subi %div3A, %sub3A : i32
    %select_n3A = arith.select %and3A, %sub3A_20, %div3A : i32
    %jit3A_21 = arith.constant 2 : i32
    %eq3A = arith.constant 0 : i32
    %eq3A_22 = arith.cmpi eq, %jit3A_21, %eq3A : i32
    %jit3A_23 = arith.constant 1 : i32
    %select_n3A_24 = arith.select %eq3A_22, %jit3A_23, %jit3A_21 : i32
    %rem3A_25 = arith.remsi %add3A_4, %select_n3A_24 : i32
    %ne3A_26 = arith.constant 0 : i32
    %ne3A_27 = arith.cmpi ne, %rem3A_25, %ne3A_26 : i32
    %lt3A = arith.constant 0 : i32
    %lt3A_28 = arith.cmpi slt, %rem3A_25, %lt3A : i32
    %lt3A_29 = arith.constant 0 : i32
    %lt3A_30 = arith.cmpi slt, %select_n3A_24, %lt3A_29 : i32
    %ne3A_31 = arith.xori %lt3A_28, %lt3A_30 : i1
    %and3A_32 = arith.andi %ne3A_31, %ne3A_27 : i1
    %add3A_33 = arith.addi %rem3A_25, %select_n3A_24 : i32
    %select_n3A_34 = arith.select %and3A_32, %add3A_33, %rem3A_25 : i32
    %jit3A_35 = arith.constant 16 : i32
    %div3A_36 = arith.divsi %select_n3A, %jit3A_35 : i32
    %sign3A_37 = arith.constant 0 : i32
    %sign3A_38 = arith.cmpi sgt, %select_n3A, %sign3A_37 : i32
    %sign3A_39 = arith.extui %sign3A_38 : i1 to i32
    %sign3A_40 = arith.constant 0 : i32
    %sign3A_41 = arith.cmpi slt, %select_n3A, %sign3A_40 : i32
    %sign3A_42 = arith.extui %sign3A_41 : i1 to i32
    %sign3A_43 = arith.subi %sign3A_39, %sign3A_42 : i32
    %sign3A_44 = arith.constant 0 : i32
    %sign3A_45 = arith.cmpi sgt, %jit3A_35, %sign3A_44 : i32
    %sign3A_46 = arith.extui %sign3A_45 : i1 to i32
    %sign3A_47 = arith.constant 0 : i32
    %sign3A_48 = arith.cmpi slt, %jit3A_35, %sign3A_47 : i32
    %sign3A_49 = arith.extui %sign3A_48 : i1 to i32
    %sign3A_50 = arith.subi %sign3A_46, %sign3A_49 : i32
    %ne3A_51 = arith.cmpi ne, %sign3A_43, %sign3A_50 : i32
    %rem3A_52 = arith.remsi %select_n3A, %jit3A_35 : i32
    %ne3A_53 = arith.constant 0 : i32
    %ne3A_54 = arith.cmpi ne, %rem3A_52, %ne3A_53 : i32
    %and3A_55 = arith.andi %ne3A_51, %ne3A_54 : i1
    %sub3A_56 = arith.constant 1 : i32
    %sub3A_57 = arith.subi %div3A_36, %sub3A_56 : i32
    %select_n3A_58 = arith.select %and3A_55, %sub3A_57, %div3A_36 : i32
    %jit3A_59 = arith.constant 16 : i32
    %eq3A_60 = arith.constant 0 : i32
    %eq3A_61 = arith.cmpi eq, %jit3A_59, %eq3A_60 : i32
    %jit3A_62 = arith.constant 1 : i32
    %select_n3A_63 = arith.select %eq3A_61, %jit3A_62, %jit3A_59 : i32
    %rem3A_64 = arith.remsi %select_n3A, %select_n3A_63 : i32
    %ne3A_65 = arith.constant 0 : i32
    %ne3A_66 = arith.cmpi ne, %rem3A_64, %ne3A_65 : i32
    %lt3A_67 = arith.constant 0 : i32
    %lt3A_68 = arith.cmpi slt, %rem3A_64, %lt3A_67 : i32
    %lt3A_69 = arith.constant 0 : i32
    %lt3A_70 = arith.cmpi slt, %select_n3A_63, %lt3A_69 : i32
    %ne3A_71 = arith.xori %lt3A_68, %lt3A_70 : i1
    %and3A_72 = arith.andi %ne3A_71, %ne3A_66 : i1
    %add3A_73 = arith.addi %rem3A_64, %select_n3A_63 : i32
    %select_n3A_74 = arith.select %and3A_72, %add3A_73, %rem3A_64 : i32
    %eq3A_75 = arith.constant 0 : i32
    %eq3A_76 = arith.cmpi eq, %select_n3A_74, %eq3A_75 : i32
    %jit3A_77 = arith.constant 0 : i32
    %jit3A_78 = arith.constant 0 : i32
    %select_n3A_79 = arith.select %eq3A_76, %jit3A_77, %jit3A_78 : i32
    %eq3A_80 = arith.constant 1 : i32
    %eq3A_81 = arith.cmpi eq, %select_n3A_74, %eq3A_80 : i32
    %jit3A_82 = arith.constant 4 : i32
    %select_n3A_83 = arith.select %eq3A_81, %jit3A_82, %select_n3A_79 : i32
    %eq3A_84 = arith.constant 2 : i32
    %eq3A_85 = arith.cmpi eq, %select_n3A_74, %eq3A_84 : i32
    %jit3A_86 = arith.constant 8 : i32
    %select_n3A_87 = arith.select %eq3A_85, %jit3A_86, %select_n3A_83 : i32
    %eq3A_88 = arith.constant 3 : i32
    %eq3A_89 = arith.cmpi eq, %select_n3A_74, %eq3A_88 : i32
    %jit3A_90 = arith.constant 12 : i32
    %select_n3A_91 = arith.select %eq3A_89, %jit3A_90, %select_n3A_87 : i32
    %eq3A_92 = arith.constant 4 : i32
    %eq3A_93 = arith.cmpi eq, %select_n3A_74, %eq3A_92 : i32
    %jit3A_94 = arith.constant 16 : i32
    %select_n3A_95 = arith.select %eq3A_93, %jit3A_94, %select_n3A_91 : i32
    %eq3A_96 = arith.constant 5 : i32
    %eq3A_97 = arith.cmpi eq, %select_n3A_74, %eq3A_96 : i32
    %jit3A_98 = arith.constant 21 : i32
    %select_n3A_99 = arith.select %eq3A_97, %jit3A_98, %select_n3A_95 : i32
    %eq3A_100 = arith.constant 6 : i32
    %eq3A_101 = arith.cmpi eq, %select_n3A_74, %eq3A_100 : i32
    %jit3A_102 = arith.constant 25 : i32
    %select_n3A_103 = arith.select %eq3A_101, %jit3A_102, %select_n3A_99 : i32
    %eq3A_104 = arith.constant 7 : i32
    %eq3A_105 = arith.cmpi eq, %select_n3A_74, %eq3A_104 : i32
    %jit3A_106 = arith.constant 29 : i32
    %select_n3A_107 = arith.select %eq3A_105, %jit3A_106, %select_n3A_103 : i32
    %eq3A_108 = arith.constant 8 : i32
    %eq3A_109 = arith.cmpi eq, %select_n3A_74, %eq3A_108 : i32
    %jit3A_110 = arith.constant 33 : i32
    %select_n3A_111 = arith.select %eq3A_109, %jit3A_110, %select_n3A_107 : i32
    %eq3A_112 = arith.constant 9 : i32
    %eq3A_113 = arith.cmpi eq, %select_n3A_74, %eq3A_112 : i32
    %jit3A_114 = arith.constant 37 : i32
    %select_n3A_115 = arith.select %eq3A_113, %jit3A_114, %select_n3A_111 : i32
    %eq3A_116 = arith.constant 10 : i32
    %eq3A_117 = arith.cmpi eq, %select_n3A_74, %eq3A_116 : i32
    %jit3A_118 = arith.constant 42 : i32
    %select_n3A_119 = arith.select %eq3A_117, %jit3A_118, %select_n3A_115 : i32
    %eq3A_120 = arith.constant 11 : i32
    %eq3A_121 = arith.cmpi eq, %select_n3A_74, %eq3A_120 : i32
    %jit3A_122 = arith.constant 46 : i32
    %select_n3A_123 = arith.select %eq3A_121, %jit3A_122, %select_n3A_119 : i32
    %eq3A_124 = arith.constant 12 : i32
    %eq3A_125 = arith.cmpi eq, %select_n3A_74, %eq3A_124 : i32
    %jit3A_126 = arith.constant 50 : i32
    %select_n3A_127 = arith.select %eq3A_125, %jit3A_126, %select_n3A_123 : i32
    %eq3A_128 = arith.constant 13 : i32
    %eq3A_129 = arith.cmpi eq, %select_n3A_74, %eq3A_128 : i32
    %jit3A_130 = arith.constant 54 : i32
    %select_n3A_131 = arith.select %eq3A_129, %jit3A_130, %select_n3A_127 : i32
    %eq3A_132 = arith.constant 14 : i32
    %eq3A_133 = arith.cmpi eq, %select_n3A_74, %eq3A_132 : i32
    %jit3A_134 = arith.constant 58 : i32
    %select_n3A_135 = arith.select %eq3A_133, %jit3A_134, %select_n3A_131 : i32
    %eq3A_136 = arith.constant 15 : i32
    %eq3A_137 = arith.cmpi eq, %select_n3A_74, %eq3A_136 : i32
    %jit3A_138 = arith.constant 63 : i32
    %select_n3A_139 = arith.select %eq3A_137, %jit3A_138, %select_n3A_135 : i32
    %mul3A_140 = arith.constant 128 : i32
    %mul3A_141 = arith.muli %select_n3A_34, %mul3A_140 : i32
    %mul3A_142 = arith.constant 3 : i32
    %mul3A_143 = arith.muli %add3A, %mul3A_142 : i32
    %add3A_144 = arith.constant 1 : i32
    %add3A_145 = arith.addi %mul3A_143, %add3A_144 : i32
    %jit3A_146 = arith.constant 2 : i32
    %div3A_147 = arith.divsi %add3A_145, %jit3A_146 : i32
    %sign3A_148 = arith.constant 0 : i32
    %sign3A_149 = arith.cmpi sgt, %add3A_145, %sign3A_148 : i32
    %sign3A_150 = arith.extui %sign3A_149 : i1 to i32
    %sign3A_151 = arith.constant 0 : i32
    %sign3A_152 = arith.cmpi slt, %add3A_145, %sign3A_151 : i32
    %sign3A_153 = arith.extui %sign3A_152 : i1 to i32
    %sign3A_154 = arith.subi %sign3A_150, %sign3A_153 : i32
    %sign3A_155 = arith.constant 0 : i32
    %sign3A_156 = arith.cmpi sgt, %jit3A_146, %sign3A_155 : i32
    %sign3A_157 = arith.extui %sign3A_156 : i1 to i32
    %sign3A_158 = arith.constant 0 : i32
    %sign3A_159 = arith.cmpi slt, %jit3A_146, %sign3A_158 : i32
    %sign3A_160 = arith.extui %sign3A_159 : i1 to i32
    %sign3A_161 = arith.subi %sign3A_157, %sign3A_160 : i32
    %ne3A_162 = arith.cmpi ne, %sign3A_154, %sign3A_161 : i32
    %rem3A_163 = arith.remsi %add3A_145, %jit3A_146 : i32
    %ne3A_164 = arith.constant 0 : i32
    %ne3A_165 = arith.cmpi ne, %rem3A_163, %ne3A_164 : i32
    %and3A_166 = arith.andi %ne3A_162, %ne3A_165 : i1
    %sub3A_167 = arith.constant 1 : i32
    %sub3A_168 = arith.subi %div3A_147, %sub3A_167 : i32
    %select_n3A_169 = arith.select %and3A_166, %sub3A_168, %div3A_147 : i32
    %jit3A_170 = arith.constant 2 : i32
    %eq3A_171 = arith.constant 0 : i32
    %eq3A_172 = arith.cmpi eq, %jit3A_170, %eq3A_171 : i32
    %jit3A_173 = arith.constant 1 : i32
    %select_n3A_174 = arith.select %eq3A_172, %jit3A_173, %jit3A_170 : i32
    %rem3A_175 = arith.remsi %add3A_145, %select_n3A_174 : i32
    %ne3A_176 = arith.constant 0 : i32
    %ne3A_177 = arith.cmpi ne, %rem3A_175, %ne3A_176 : i32
    %lt3A_178 = arith.constant 0 : i32
    %lt3A_179 = arith.cmpi slt, %rem3A_175, %lt3A_178 : i32
    %lt3A_180 = arith.constant 0 : i32
    %lt3A_181 = arith.cmpi slt, %select_n3A_174, %lt3A_180 : i32
    %ne3A_182 = arith.xori %lt3A_179, %lt3A_181 : i1
    %and3A_183 = arith.andi %ne3A_182, %ne3A_177 : i1
    %add3A_184 = arith.addi %rem3A_175, %select_n3A_174 : i32
    %select_n3A_185 = arith.select %and3A_183, %add3A_184, %rem3A_175 : i32
    %jit3A_186 = arith.constant 16 : i32
    %div3A_187 = arith.divsi %select_n3A_169, %jit3A_186 : i32
    %sign3A_188 = arith.constant 0 : i32
    %sign3A_189 = arith.cmpi sgt, %select_n3A_169, %sign3A_188 : i32
    %sign3A_190 = arith.extui %sign3A_189 : i1 to i32
    %sign3A_191 = arith.constant 0 : i32
    %sign3A_192 = arith.cmpi slt, %select_n3A_169, %sign3A_191 : i32
    %sign3A_193 = arith.extui %sign3A_192 : i1 to i32
    %sign3A_194 = arith.subi %sign3A_190, %sign3A_193 : i32
    %sign3A_195 = arith.constant 0 : i32
    %sign3A_196 = arith.cmpi sgt, %jit3A_186, %sign3A_195 : i32
    %sign3A_197 = arith.extui %sign3A_196 : i1 to i32
    %sign3A_198 = arith.constant 0 : i32
    %sign3A_199 = arith.cmpi slt, %jit3A_186, %sign3A_198 : i32
    %sign3A_200 = arith.extui %sign3A_199 : i1 to i32
    %sign3A_201 = arith.subi %sign3A_197, %sign3A_200 : i32
    %ne3A_202 = arith.cmpi ne, %sign3A_194, %sign3A_201 : i32
    %rem3A_203 = arith.remsi %select_n3A_169, %jit3A_186 : i32
    %ne3A_204 = arith.constant 0 : i32
    %ne3A_205 = arith.cmpi ne, %rem3A_203, %ne3A_204 : i32
    %and3A_206 = arith.andi %ne3A_202, %ne3A_205 : i1
    %sub3A_207 = arith.constant 1 : i32
    %sub3A_208 = arith.subi %div3A_187, %sub3A_207 : i32
    %select_n3A_209 = arith.select %and3A_206, %sub3A_208, %div3A_187 : i32
    %jit3A_210 = arith.constant 16 : i32
    %eq3A_211 = arith.constant 0 : i32
    %eq3A_212 = arith.cmpi eq, %jit3A_210, %eq3A_211 : i32
    %jit3A_213 = arith.constant 1 : i32
    %select_n3A_214 = arith.select %eq3A_212, %jit3A_213, %jit3A_210 : i32
    %rem3A_215 = arith.remsi %select_n3A_169, %select_n3A_214 : i32
    %ne3A_216 = arith.constant 0 : i32
    %ne3A_217 = arith.cmpi ne, %rem3A_215, %ne3A_216 : i32
    %lt3A_218 = arith.constant 0 : i32
    %lt3A_219 = arith.cmpi slt, %rem3A_215, %lt3A_218 : i32
    %lt3A_220 = arith.constant 0 : i32
    %lt3A_221 = arith.cmpi slt, %select_n3A_214, %lt3A_220 : i32
    %ne3A_222 = arith.xori %lt3A_219, %lt3A_221 : i1
    %and3A_223 = arith.andi %ne3A_222, %ne3A_217 : i1
    %add3A_224 = arith.addi %rem3A_215, %select_n3A_214 : i32
    %select_n3A_225 = arith.select %and3A_223, %add3A_224, %rem3A_215 : i32
    %eq3A_226 = arith.constant 0 : i32
    %eq3A_227 = arith.cmpi eq, %select_n3A_225, %eq3A_226 : i32
    %jit3A_228 = arith.constant 0 : i32
    %jit3A_229 = arith.constant 0 : i32
    %select_n3A_230 = arith.select %eq3A_227, %jit3A_228, %jit3A_229 : i32
    %eq3A_231 = arith.constant 1 : i32
    %eq3A_232 = arith.cmpi eq, %select_n3A_225, %eq3A_231 : i32
    %jit3A_233 = arith.constant 4 : i32
    %select_n3A_234 = arith.select %eq3A_232, %jit3A_233, %select_n3A_230 : i32
    %eq3A_235 = arith.constant 2 : i32
    %eq3A_236 = arith.cmpi eq, %select_n3A_225, %eq3A_235 : i32
    %jit3A_237 = arith.constant 8 : i32
    %select_n3A_238 = arith.select %eq3A_236, %jit3A_237, %select_n3A_234 : i32
    %eq3A_239 = arith.constant 3 : i32
    %eq3A_240 = arith.cmpi eq, %select_n3A_225, %eq3A_239 : i32
    %jit3A_241 = arith.constant 12 : i32
    %select_n3A_242 = arith.select %eq3A_240, %jit3A_241, %select_n3A_238 : i32
    %eq3A_243 = arith.constant 4 : i32
    %eq3A_244 = arith.cmpi eq, %select_n3A_225, %eq3A_243 : i32
    %jit3A_245 = arith.constant 16 : i32
    %select_n3A_246 = arith.select %eq3A_244, %jit3A_245, %select_n3A_242 : i32
    %eq3A_247 = arith.constant 5 : i32
    %eq3A_248 = arith.cmpi eq, %select_n3A_225, %eq3A_247 : i32
    %jit3A_249 = arith.constant 21 : i32
    %select_n3A_250 = arith.select %eq3A_248, %jit3A_249, %select_n3A_246 : i32
    %eq3A_251 = arith.constant 6 : i32
    %eq3A_252 = arith.cmpi eq, %select_n3A_225, %eq3A_251 : i32
    %jit3A_253 = arith.constant 25 : i32
    %select_n3A_254 = arith.select %eq3A_252, %jit3A_253, %select_n3A_250 : i32
    %eq3A_255 = arith.constant 7 : i32
    %eq3A_256 = arith.cmpi eq, %select_n3A_225, %eq3A_255 : i32
    %jit3A_257 = arith.constant 29 : i32
    %select_n3A_258 = arith.select %eq3A_256, %jit3A_257, %select_n3A_254 : i32
    %eq3A_259 = arith.constant 8 : i32
    %eq3A_260 = arith.cmpi eq, %select_n3A_225, %eq3A_259 : i32
    %jit3A_261 = arith.constant 33 : i32
    %select_n3A_262 = arith.select %eq3A_260, %jit3A_261, %select_n3A_258 : i32
    %eq3A_263 = arith.constant 9 : i32
    %eq3A_264 = arith.cmpi eq, %select_n3A_225, %eq3A_263 : i32
    %jit3A_265 = arith.constant 37 : i32
    %select_n3A_266 = arith.select %eq3A_264, %jit3A_265, %select_n3A_262 : i32
    %eq3A_267 = arith.constant 10 : i32
    %eq3A_268 = arith.cmpi eq, %select_n3A_225, %eq3A_267 : i32
    %jit3A_269 = arith.constant 42 : i32
    %select_n3A_270 = arith.select %eq3A_268, %jit3A_269, %select_n3A_266 : i32
    %eq3A_271 = arith.constant 11 : i32
    %eq3A_272 = arith.cmpi eq, %select_n3A_225, %eq3A_271 : i32
    %jit3A_273 = arith.constant 46 : i32
    %select_n3A_274 = arith.select %eq3A_272, %jit3A_273, %select_n3A_270 : i32
    %eq3A_275 = arith.constant 12 : i32
    %eq3A_276 = arith.cmpi eq, %select_n3A_225, %eq3A_275 : i32
    %jit3A_277 = arith.constant 50 : i32
    %select_n3A_278 = arith.select %eq3A_276, %jit3A_277, %select_n3A_274 : i32
    %eq3A_279 = arith.constant 13 : i32
    %eq3A_280 = arith.cmpi eq, %select_n3A_225, %eq3A_279 : i32
    %jit3A_281 = arith.constant 54 : i32
    %select_n3A_282 = arith.select %eq3A_280, %jit3A_281, %select_n3A_278 : i32
    %eq3A_283 = arith.constant 14 : i32
    %eq3A_284 = arith.cmpi eq, %select_n3A_225, %eq3A_283 : i32
    %jit3A_285 = arith.constant 58 : i32
    %select_n3A_286 = arith.select %eq3A_284, %jit3A_285, %select_n3A_282 : i32
    %eq3A_287 = arith.constant 15 : i32
    %eq3A_288 = arith.cmpi eq, %select_n3A_225, %eq3A_287 : i32
    %jit3A_289 = arith.constant 63 : i32
    %select_n3A_290 = arith.select %eq3A_288, %jit3A_289, %select_n3A_286 : i32
    %mul3A_291 = arith.constant 128 : i32
    %mul3A_292 = arith.muli %select_n3A_185, %mul3A_291 : i32
    %mul3A_293 = arith.constant 3 : i32
    %mul3A_294 = arith.muli %add3A, %mul3A_293 : i32
    %add3A_295 = arith.constant 2 : i32
    %add3A_296 = arith.addi %mul3A_294, %add3A_295 : i32
    %jit3A_297 = arith.constant 2 : i32
    %div3A_298 = arith.divsi %add3A_296, %jit3A_297 : i32
    %sign3A_299 = arith.constant 0 : i32
    %sign3A_300 = arith.cmpi sgt, %add3A_296, %sign3A_299 : i32
    %sign3A_301 = arith.extui %sign3A_300 : i1 to i32
    %sign3A_302 = arith.constant 0 : i32
    %sign3A_303 = arith.cmpi slt, %add3A_296, %sign3A_302 : i32
    %sign3A_304 = arith.extui %sign3A_303 : i1 to i32
    %sign3A_305 = arith.subi %sign3A_301, %sign3A_304 : i32
    %sign3A_306 = arith.constant 0 : i32
    %sign3A_307 = arith.cmpi sgt, %jit3A_297, %sign3A_306 : i32
    %sign3A_308 = arith.extui %sign3A_307 : i1 to i32
    %sign3A_309 = arith.constant 0 : i32
    %sign3A_310 = arith.cmpi slt, %jit3A_297, %sign3A_309 : i32
    %sign3A_311 = arith.extui %sign3A_310 : i1 to i32
    %sign3A_312 = arith.subi %sign3A_308, %sign3A_311 : i32
    %ne3A_313 = arith.cmpi ne, %sign3A_305, %sign3A_312 : i32
    %rem3A_314 = arith.remsi %add3A_296, %jit3A_297 : i32
    %ne3A_315 = arith.constant 0 : i32
    %ne3A_316 = arith.cmpi ne, %rem3A_314, %ne3A_315 : i32
    %and3A_317 = arith.andi %ne3A_313, %ne3A_316 : i1
    %sub3A_318 = arith.constant 1 : i32
    %sub3A_319 = arith.subi %div3A_298, %sub3A_318 : i32
    %select_n3A_320 = arith.select %and3A_317, %sub3A_319, %div3A_298 : i32
    %jit3A_321 = arith.constant 2 : i32
    %eq3A_322 = arith.constant 0 : i32
    %eq3A_323 = arith.cmpi eq, %jit3A_321, %eq3A_322 : i32
    %jit3A_324 = arith.constant 1 : i32
    %select_n3A_325 = arith.select %eq3A_323, %jit3A_324, %jit3A_321 : i32
    %rem3A_326 = arith.remsi %add3A_296, %select_n3A_325 : i32
    %ne3A_327 = arith.constant 0 : i32
    %ne3A_328 = arith.cmpi ne, %rem3A_326, %ne3A_327 : i32
    %lt3A_329 = arith.constant 0 : i32
    %lt3A_330 = arith.cmpi slt, %rem3A_326, %lt3A_329 : i32
    %lt3A_331 = arith.constant 0 : i32
    %lt3A_332 = arith.cmpi slt, %select_n3A_325, %lt3A_331 : i32
    %ne3A_333 = arith.xori %lt3A_330, %lt3A_332 : i1
    %and3A_334 = arith.andi %ne3A_333, %ne3A_328 : i1
    %add3A_335 = arith.addi %rem3A_326, %select_n3A_325 : i32
    %select_n3A_336 = arith.select %and3A_334, %add3A_335, %rem3A_326 : i32
    %jit3A_337 = arith.constant 16 : i32
    %div3A_338 = arith.divsi %select_n3A_320, %jit3A_337 : i32
    %sign3A_339 = arith.constant 0 : i32
    %sign3A_340 = arith.cmpi sgt, %select_n3A_320, %sign3A_339 : i32
    %sign3A_341 = arith.extui %sign3A_340 : i1 to i32
    %sign3A_342 = arith.constant 0 : i32
    %sign3A_343 = arith.cmpi slt, %select_n3A_320, %sign3A_342 : i32
    %sign3A_344 = arith.extui %sign3A_343 : i1 to i32
    %sign3A_345 = arith.subi %sign3A_341, %sign3A_344 : i32
    %sign3A_346 = arith.constant 0 : i32
    %sign3A_347 = arith.cmpi sgt, %jit3A_337, %sign3A_346 : i32
    %sign3A_348 = arith.extui %sign3A_347 : i1 to i32
    %sign3A_349 = arith.constant 0 : i32
    %sign3A_350 = arith.cmpi slt, %jit3A_337, %sign3A_349 : i32
    %sign3A_351 = arith.extui %sign3A_350 : i1 to i32
    %sign3A_352 = arith.subi %sign3A_348, %sign3A_351 : i32
    %ne3A_353 = arith.cmpi ne, %sign3A_345, %sign3A_352 : i32
    %rem3A_354 = arith.remsi %select_n3A_320, %jit3A_337 : i32
    %ne3A_355 = arith.constant 0 : i32
    %ne3A_356 = arith.cmpi ne, %rem3A_354, %ne3A_355 : i32
    %and3A_357 = arith.andi %ne3A_353, %ne3A_356 : i1
    %sub3A_358 = arith.constant 1 : i32
    %sub3A_359 = arith.subi %div3A_338, %sub3A_358 : i32
    %select_n3A_360 = arith.select %and3A_357, %sub3A_359, %div3A_338 : i32
    %jit3A_361 = arith.constant 16 : i32
    %eq3A_362 = arith.constant 0 : i32
    %eq3A_363 = arith.cmpi eq, %jit3A_361, %eq3A_362 : i32
    %jit3A_364 = arith.constant 1 : i32
    %select_n3A_365 = arith.select %eq3A_363, %jit3A_364, %jit3A_361 : i32
    %rem3A_366 = arith.remsi %select_n3A_320, %select_n3A_365 : i32
    %ne3A_367 = arith.constant 0 : i32
    %ne3A_368 = arith.cmpi ne, %rem3A_366, %ne3A_367 : i32
    %lt3A_369 = arith.constant 0 : i32
    %lt3A_370 = arith.cmpi slt, %rem3A_366, %lt3A_369 : i32
    %lt3A_371 = arith.constant 0 : i32
    %lt3A_372 = arith.cmpi slt, %select_n3A_365, %lt3A_371 : i32
    %ne3A_373 = arith.xori %lt3A_370, %lt3A_372 : i1
    %and3A_374 = arith.andi %ne3A_373, %ne3A_368 : i1
    %add3A_375 = arith.addi %rem3A_366, %select_n3A_365 : i32
    %select_n3A_376 = arith.select %and3A_374, %add3A_375, %rem3A_366 : i32
    %eq3A_377 = arith.constant 0 : i32
    %eq3A_378 = arith.cmpi eq, %select_n3A_376, %eq3A_377 : i32
    %jit3A_379 = arith.constant 0 : i32
    %jit3A_380 = arith.constant 0 : i32
    %select_n3A_381 = arith.select %eq3A_378, %jit3A_379, %jit3A_380 : i32
    %eq3A_382 = arith.constant 1 : i32
    %eq3A_383 = arith.cmpi eq, %select_n3A_376, %eq3A_382 : i32
    %jit3A_384 = arith.constant 4 : i32
    %select_n3A_385 = arith.select %eq3A_383, %jit3A_384, %select_n3A_381 : i32
    %eq3A_386 = arith.constant 2 : i32
    %eq3A_387 = arith.cmpi eq, %select_n3A_376, %eq3A_386 : i32
    %jit3A_388 = arith.constant 8 : i32
    %select_n3A_389 = arith.select %eq3A_387, %jit3A_388, %select_n3A_385 : i32
    %eq3A_390 = arith.constant 3 : i32
    %eq3A_391 = arith.cmpi eq, %select_n3A_376, %eq3A_390 : i32
    %jit3A_392 = arith.constant 12 : i32
    %select_n3A_393 = arith.select %eq3A_391, %jit3A_392, %select_n3A_389 : i32
    %eq3A_394 = arith.constant 4 : i32
    %eq3A_395 = arith.cmpi eq, %select_n3A_376, %eq3A_394 : i32
    %jit3A_396 = arith.constant 16 : i32
    %select_n3A_397 = arith.select %eq3A_395, %jit3A_396, %select_n3A_393 : i32
    %eq3A_398 = arith.constant 5 : i32
    %eq3A_399 = arith.cmpi eq, %select_n3A_376, %eq3A_398 : i32
    %jit3A_400 = arith.constant 21 : i32
    %select_n3A_401 = arith.select %eq3A_399, %jit3A_400, %select_n3A_397 : i32
    %eq3A_402 = arith.constant 6 : i32
    %eq3A_403 = arith.cmpi eq, %select_n3A_376, %eq3A_402 : i32
    %jit3A_404 = arith.constant 25 : i32
    %select_n3A_405 = arith.select %eq3A_403, %jit3A_404, %select_n3A_401 : i32
    %eq3A_406 = arith.constant 7 : i32
    %eq3A_407 = arith.cmpi eq, %select_n3A_376, %eq3A_406 : i32
    %jit3A_408 = arith.constant 29 : i32
    %select_n3A_409 = arith.select %eq3A_407, %jit3A_408, %select_n3A_405 : i32
    %eq3A_410 = arith.constant 8 : i32
    %eq3A_411 = arith.cmpi eq, %select_n3A_376, %eq3A_410 : i32
    %jit3A_412 = arith.constant 33 : i32
    %select_n3A_413 = arith.select %eq3A_411, %jit3A_412, %select_n3A_409 : i32
    %eq3A_414 = arith.constant 9 : i32
    %eq3A_415 = arith.cmpi eq, %select_n3A_376, %eq3A_414 : i32
    %jit3A_416 = arith.constant 37 : i32
    %select_n3A_417 = arith.select %eq3A_415, %jit3A_416, %select_n3A_413 : i32
    %eq3A_418 = arith.constant 10 : i32
    %eq3A_419 = arith.cmpi eq, %select_n3A_376, %eq3A_418 : i32
    %jit3A_420 = arith.constant 42 : i32
    %select_n3A_421 = arith.select %eq3A_419, %jit3A_420, %select_n3A_417 : i32
    %eq3A_422 = arith.constant 11 : i32
    %eq3A_423 = arith.cmpi eq, %select_n3A_376, %eq3A_422 : i32
    %jit3A_424 = arith.constant 46 : i32
    %select_n3A_425 = arith.select %eq3A_423, %jit3A_424, %select_n3A_421 : i32
    %eq3A_426 = arith.constant 12 : i32
    %eq3A_427 = arith.cmpi eq, %select_n3A_376, %eq3A_426 : i32
    %jit3A_428 = arith.constant 50 : i32
    %select_n3A_429 = arith.select %eq3A_427, %jit3A_428, %select_n3A_425 : i32
    %eq3A_430 = arith.constant 13 : i32
    %eq3A_431 = arith.cmpi eq, %select_n3A_376, %eq3A_430 : i32
    %jit3A_432 = arith.constant 54 : i32
    %select_n3A_433 = arith.select %eq3A_431, %jit3A_432, %select_n3A_429 : i32
    %eq3A_434 = arith.constant 14 : i32
    %eq3A_435 = arith.cmpi eq, %select_n3A_376, %eq3A_434 : i32
    %jit3A_436 = arith.constant 58 : i32
    %select_n3A_437 = arith.select %eq3A_435, %jit3A_436, %select_n3A_433 : i32
    %eq3A_438 = arith.constant 15 : i32
    %eq3A_439 = arith.cmpi eq, %select_n3A_376, %eq3A_438 : i32
    %jit3A_440 = arith.constant 63 : i32
    %select_n3A_441 = arith.select %eq3A_439, %jit3A_440, %select_n3A_437 : i32
    %mul3A_442 = arith.constant 128 : i32
    %mul3A_443 = arith.muli %select_n3A_336, %mul3A_442 : i32
    %dma_start3A = arith.constant 0 : i32
    %dma_start3A_444 = tpu.memref_slice %arg2[%select_n3A_58, %select_n3A_139, %mul3A_141, %dma_start3A] : memref<3x64x256x256xf32, #tpu.memory_space<hbm>> -> memref<1x1x128x256xf32, #tpu.memory_space<hbm>>
    %dma_start3A_445 = tpu.memref_squeeze %dma_start3A_444 : memref<1x1x128x256xf32, #tpu.memory_space<hbm>> -> memref<128x256xf32, #tpu.memory_space<hbm>>
    %dma_start3A_446 = arith.constant 0 : i32
    %dma_start3A_447 = tpu.memref_slice %arg2[%select_n3A_58, %select_n3A_139, %mul3A_141, %dma_start3A_446] : memref<3x64x256x256xf32, #tpu.memory_space<hbm>> -> memref<1x1x128x256xf32, #tpu.memory_space<hbm>>
    %dma_start3A_448 = tpu.memref_squeeze %dma_start3A_447 : memref<1x1x128x256xf32, #tpu.memory_space<hbm>> -> memref<128x256xf32, #tpu.memory_space<hbm>>
    tpu.enqueue_dma source(%dma_start3A_448 : memref<128x256xf32, #tpu.memory_space<hbm>>) target(%arg4 : memref<128x256xf32, #tpu.memory_space<vmem>>) target_semaphore(%arg7 : memref<!tpu.dma_semaphore, #tpu.memory_space<semaphore_mem>>)
    %dma_start3A_449 = arith.constant 0 : i32
    %dma_start3A_450 = tpu.memref_slice %arg2[%select_n3A_209, %select_n3A_290, %mul3A_292, %dma_start3A_449] : memref<3x64x256x256xf32, #tpu.memory_space<hbm>> -> memref<1x1x128x256xf32, #tpu.memory_space<hbm>>
    %dma_start3A_451 = tpu.memref_squeeze %dma_start3A_450 : memref<1x1x128x256xf32, #tpu.memory_space<hbm>> -> memref<128x256xf32, #tpu.memory_space<hbm>>
    %dma_start3A_452 = arith.constant 0 : i32
    %dma_start3A_453 = tpu.memref_slice %arg2[%select_n3A_209, %select_n3A_290, %mul3A_292, %dma_start3A_452] : memref<3x64x256x256xf32, #tpu.memory_space<hbm>> -> memref<1x1x128x256xf32, #tpu.memory_space<hbm>>
    %dma_start3A_454 = tpu.memref_squeeze %dma_start3A_453 : memref<1x1x128x256xf32, #tpu.memory_space<hbm>> -> memref<128x256xf32, #tpu.memory_space<hbm>>
    tpu.enqueue_dma source(%dma_start3A_454 : memref<128x256xf32, #tpu.memory_space<hbm>>) target(%arg5 : memref<128x256xf32, #tpu.memory_space<vmem>>) target_semaphore(%arg8 : memref<!tpu.dma_semaphore, #tpu.memory_space<semaphore_mem>>)
    %dma_start3A_455 = arith.constant 0 : i32
    %dma_start3A_456 = tpu.memref_slice %arg2[%select_n3A_360, %select_n3A_441, %mul3A_443, %dma_start3A_455] : memref<3x64x256x256xf32, #tpu.memory_space<hbm>> -> memref<1x1x128x256xf32, #tpu.memory_space<hbm>>
    %dma_start3A_457 = tpu.memref_squeeze %dma_start3A_456 : memref<1x1x128x256xf32, #tpu.memory_space<hbm>> -> memref<128x256xf32, #tpu.memory_space<hbm>>
    %dma_start3A_458 = arith.constant 0 : i32
    %dma_start3A_459 = tpu.memref_slice %arg2[%select_n3A_360, %select_n3A_441, %mul3A_443, %dma_start3A_458] : memref<3x64x256x256xf32, #tpu.memory_space<hbm>> -> memref<1x1x128x256xf32, #tpu.memory_space<hbm>>
    %dma_start3A_460 = tpu.memref_squeeze %dma_start3A_459 : memref<1x1x128x256xf32, #tpu.memory_space<hbm>> -> memref<128x256xf32, #tpu.memory_space<hbm>>
    tpu.enqueue_dma source(%dma_start3A_460 : memref<128x256xf32, #tpu.memory_space<hbm>>) target(%arg6 : memref<128x256xf32, #tpu.memory_space<vmem>>) target_semaphore(%arg9 : memref<!tpu.dma_semaphore, #tpu.memory_space<semaphore_mem>>)
    %dma_wait3A = arith.constant 0 : i32
    %dma_wait3A_461 = tpu.memref_slice %arg2[%select_n3A_58, %select_n3A_139, %mul3A_141, %dma_wait3A] : memref<3x64x256x256xf32, #tpu.memory_space<hbm>> -> memref<1x1x128x256xf32, #tpu.memory_space<hbm>>
    %dma_wait3A_462 = tpu.memref_squeeze %dma_wait3A_461 : memref<1x1x128x256xf32, #tpu.memory_space<hbm>> -> memref<128x256xf32, #tpu.memory_space<hbm>>
    %dma_wait3A_463 = arith.constant 0 : i32
    %dma_wait3A_464 = tpu.memref_slice %arg2[%select_n3A_58, %select_n3A_139, %mul3A_141, %dma_wait3A_463] : memref<3x64x256x256xf32, #tpu.memory_space<hbm>> -> memref<1x1x128x256xf32, #tpu.memory_space<hbm>>
    %dma_wait3A_465 = tpu.memref_squeeze %dma_wait3A_464 : memref<1x1x128x256xf32, #tpu.memory_space<hbm>> -> memref<128x256xf32, #tpu.memory_space<hbm>>
    tpu.wait_dma2 semaphore(%arg7 : memref<!tpu.dma_semaphore, #tpu.memory_space<semaphore_mem>>) src(%dma_wait3A_465 : memref<128x256xf32, #tpu.memory_space<hbm>>) dst(%arg4 : memref<128x256xf32, #tpu.memory_space<vmem>>)
    %dma_start3A_466 = arith.constant 0 : i32
    %dma_start3A_467 = tpu.memref_slice %arg3[%select_n3A_58, %select_n3A_74, %mul3A_141, %dma_start3A_466] : memref<3x16x256x256xf32, #tpu.memory_space<hbm>> -> memref<1x1x128x256xf32, #tpu.memory_space<hbm>>
    %dma_start3A_468 = tpu.memref_squeeze %dma_start3A_467 : memref<1x1x128x256xf32, #tpu.memory_space<hbm>> -> memref<128x256xf32, #tpu.memory_space<hbm>>
    %dma_start3A_469 = arith.constant 0 : i32
    %dma_start3A_470 = tpu.memref_slice %arg3[%select_n3A_58, %select_n3A_74, %mul3A_141, %dma_start3A_469] : memref<3x16x256x256xf32, #tpu.memory_space<hbm>> -> memref<1x1x128x256xf32, #tpu.memory_space<hbm>>
    %dma_start3A_471 = tpu.memref_squeeze %dma_start3A_470 : memref<1x1x128x256xf32, #tpu.memory_space<hbm>> -> memref<128x256xf32, #tpu.memory_space<hbm>>
    tpu.enqueue_dma source(%arg4 : memref<128x256xf32, #tpu.memory_space<vmem>>) target(%dma_start3A_471 : memref<128x256xf32, #tpu.memory_space<hbm>>) target_semaphore(%arg7 : memref<!tpu.dma_semaphore, #tpu.memory_space<semaphore_mem>>)
    %dma_wait3A_472 = arith.constant 0 : i32
    %dma_wait3A_473 = tpu.memref_slice %arg2[%select_n3A_209, %select_n3A_290, %mul3A_292, %dma_wait3A_472] : memref<3x64x256x256xf32, #tpu.memory_space<hbm>> -> memref<1x1x128x256xf32, #tpu.memory_space<hbm>>
    %dma_wait3A_474 = tpu.memref_squeeze %dma_wait3A_473 : memref<1x1x128x256xf32, #tpu.memory_space<hbm>> -> memref<128x256xf32, #tpu.memory_space<hbm>>
    %dma_wait3A_475 = arith.constant 0 : i32
    %dma_wait3A_476 = tpu.memref_slice %arg2[%select_n3A_209, %select_n3A_290, %mul3A_292, %dma_wait3A_475] : memref<3x64x256x256xf32, #tpu.memory_space<hbm>> -> memref<1x1x128x256xf32, #tpu.memory_space<hbm>>
    %dma_wait3A_477 = tpu.memref_squeeze %dma_wait3A_476 : memref<1x1x128x256xf32, #tpu.memory_space<hbm>> -> memref<128x256xf32, #tpu.memory_space<hbm>>
    tpu.wait_dma2 semaphore(%arg8 : memref<!tpu.dma_semaphore, #tpu.memory_space<semaphore_mem>>) src(%dma_wait3A_477 : memref<128x256xf32, #tpu.memory_space<hbm>>) dst(%arg5 : memref<128x256xf32, #tpu.memory_space<vmem>>)
    %dma_start3A_478 = arith.constant 0 : i32
    %dma_start3A_479 = tpu.memref_slice %arg3[%select_n3A_209, %select_n3A_225, %mul3A_292, %dma_start3A_478] : memref<3x16x256x256xf32, #tpu.memory_space<hbm>> -> memref<1x1x128x256xf32, #tpu.memory_space<hbm>>
    %dma_start3A_480 = tpu.memref_squeeze %dma_start3A_479 : memref<1x1x128x256xf32, #tpu.memory_space<hbm>> -> memref<128x256xf32, #tpu.memory_space<hbm>>
    %dma_start3A_481 = arith.constant 0 : i32
    %dma_start3A_482 = tpu.memref_slice %arg3[%select_n3A_209, %select_n3A_225, %mul3A_292, %dma_start3A_481] : memref<3x16x256x256xf32, #tpu.memory_space<hbm>> -> memref<1x1x128x256xf32, #tpu.memory_space<hbm>>
    %dma_start3A_483 = tpu.memref_squeeze %dma_start3A_482 : memref<1x1x128x256xf32, #tpu.memory_space<hbm>> -> memref<128x256xf32, #tpu.memory_space<hbm>>
    tpu.enqueue_dma source(%arg5 : memref<128x256xf32, #tpu.memory_space<vmem>>) target(%dma_start3A_483 : memref<128x256xf32, #tpu.memory_space<hbm>>) target_semaphore(%arg8 : memref<!tpu.dma_semaphore, #tpu.memory_space<semaphore_mem>>)
    %dma_wait3A_484 = arith.constant 0 : i32
    %dma_wait3A_485 = tpu.memref_slice %arg2[%select_n3A_360, %select_n3A_441, %mul3A_443, %dma_wait3A_484] : memref<3x64x256x256xf32, #tpu.memory_space<hbm>> -> memref<1x1x128x256xf32, #tpu.memory_space<hbm>>
    %dma_wait3A_486 = tpu.memref_squeeze %dma_wait3A_485 : memref<1x1x128x256xf32, #tpu.memory_space<hbm>> -> memref<128x256xf32, #tpu.memory_space<hbm>>
    %dma_wait3A_487 = arith.constant 0 : i32
    %dma_wait3A_488 = tpu.memref_slice %arg2[%select_n3A_360, %select_n3A_441, %mul3A_443, %dma_wait3A_487] : memref<3x64x256x256xf32, #tpu.memory_space<hbm>> -> memref<1x1x128x256xf32, #tpu.memory_space<hbm>>
    %dma_wait3A_489 = tpu.memref_squeeze %dma_wait3A_488 : memref<1x1x128x256xf32, #tpu.memory_space<hbm>> -> memref<128x256xf32, #tpu.memory_space<hbm>>
    tpu.wait_dma2 semaphore(%arg9 : memref<!tpu.dma_semaphore, #tpu.memory_space<semaphore_mem>>) src(%dma_wait3A_489 : memref<128x256xf32, #tpu.memory_space<hbm>>) dst(%arg6 : memref<128x256xf32, #tpu.memory_space<vmem>>)
    %dma_start3A_490 = arith.constant 0 : i32
    %dma_start3A_491 = tpu.memref_slice %arg3[%select_n3A_360, %select_n3A_376, %mul3A_443, %dma_start3A_490] : memref<3x16x256x256xf32, #tpu.memory_space<hbm>> -> memref<1x1x128x256xf32, #tpu.memory_space<hbm>>
    %dma_start3A_492 = tpu.memref_squeeze %dma_start3A_491 : memref<1x1x128x256xf32, #tpu.memory_space<hbm>> -> memref<128x256xf32, #tpu.memory_space<hbm>>
    %dma_start3A_493 = arith.constant 0 : i32
    %dma_start3A_494 = tpu.memref_slice %arg3[%select_n3A_360, %select_n3A_376, %mul3A_443, %dma_start3A_493] : memref<3x16x256x256xf32, #tpu.memory_space<hbm>> -> memref<1x1x128x256xf32, #tpu.memory_space<hbm>>
    %dma_start3A_495 = tpu.memref_squeeze %dma_start3A_494 : memref<1x1x128x256xf32, #tpu.memory_space<hbm>> -> memref<128x256xf32, #tpu.memory_space<hbm>>
    tpu.enqueue_dma source(%arg6 : memref<128x256xf32, #tpu.memory_space<vmem>>) target(%dma_start3A_495 : memref<128x256xf32, #tpu.memory_space<hbm>>) target_semaphore(%arg9 : memref<!tpu.dma_semaphore, #tpu.memory_space<semaphore_mem>>)
    %dma_wait3A_496 = arith.constant 0 : i32
    %dma_wait3A_497 = tpu.memref_slice %arg3[%select_n3A_58, %select_n3A_74, %mul3A_141, %dma_wait3A_496] : memref<3x16x256x256xf32, #tpu.memory_space<hbm>> -> memref<1x1x128x256xf32, #tpu.memory_space<hbm>>
    %dma_wait3A_498 = tpu.memref_squeeze %dma_wait3A_497 : memref<1x1x128x256xf32, #tpu.memory_space<hbm>> -> memref<128x256xf32, #tpu.memory_space<hbm>>
    %dma_wait3A_499 = arith.constant 0 : i32
    %dma_wait3A_500 = tpu.memref_slice %arg3[%select_n3A_58, %select_n3A_74, %mul3A_141, %dma_wait3A_499] : memref<3x16x256x256xf32, #tpu.memory_space<hbm>> -> memref<1x1x128x256xf32, #tpu.memory_space<hbm>>
    %dma_wait3A_501 = tpu.memref_squeeze %dma_wait3A_500 : memref<1x1x128x256xf32, #tpu.memory_space<hbm>> -> memref<128x256xf32, #tpu.memory_space<hbm>>
    tpu.wait_dma2 semaphore(%arg7 : memref<!tpu.dma_semaphore, #tpu.memory_space<semaphore_mem>>) src(%arg4 : memref<128x256xf32, #tpu.memory_space<vmem>>) dst(%dma_wait3A_501 : memref<128x256xf32, #tpu.memory_space<hbm>>)
    %dma_wait3A_502 = arith.constant 0 : i32
    %dma_wait3A_503 = tpu.memref_slice %arg3[%select_n3A_209, %select_n3A_225, %mul3A_292, %dma_wait3A_502] : memref<3x16x256x256xf32, #tpu.memory_space<hbm>> -> memref<1x1x128x256xf32, #tpu.memory_space<hbm>>
    %dma_wait3A_504 = tpu.memref_squeeze %dma_wait3A_503 : memref<1x1x128x256xf32, #tpu.memory_space<hbm>> -> memref<128x256xf32, #tpu.memory_space<hbm>>
    %dma_wait3A_505 = arith.constant 0 : i32
    %dma_wait3A_506 = tpu.memref_slice %arg3[%select_n3A_209, %select_n3A_225, %mul3A_292, %dma_wait3A_505] : memref<3x16x256x256xf32, #tpu.memory_space<hbm>> -> memref<1x1x128x256xf32, #tpu.memory_space<hbm>>
    %dma_wait3A_507 = tpu.memref_squeeze %dma_wait3A_506 : memref<1x1x128x256xf32, #tpu.memory_space<hbm>> -> memref<128x256xf32, #tpu.memory_space<hbm>>
    tpu.wait_dma2 semaphore(%arg8 : memref<!tpu.dma_semaphore, #tpu.memory_space<semaphore_mem>>) src(%arg5 : memref<128x256xf32, #tpu.memory_space<vmem>>) dst(%dma_wait3A_507 : memref<128x256xf32, #tpu.memory_space<hbm>>)
    %dma_wait3A_508 = arith.constant 0 : i32
    %dma_wait3A_509 = tpu.memref_slice %arg3[%select_n3A_360, %select_n3A_376, %mul3A_443, %dma_wait3A_508] : memref<3x16x256x256xf32, #tpu.memory_space<hbm>> -> memref<1x1x128x256xf32, #tpu.memory_space<hbm>>
    %dma_wait3A_510 = tpu.memref_squeeze %dma_wait3A_509 : memref<1x1x128x256xf32, #tpu.memory_space<hbm>> -> memref<128x256xf32, #tpu.memory_space<hbm>>
    %dma_wait3A_511 = arith.constant 0 : i32
    %dma_wait3A_512 = tpu.memref_slice %arg3[%select_n3A_360, %select_n3A_376, %mul3A_443, %dma_wait3A_511] : memref<3x16x256x256xf32, #tpu.memory_space<hbm>> -> memref<1x1x128x256xf32, #tpu.memory_space<hbm>>
    %dma_wait3A_513 = tpu.memref_squeeze %dma_wait3A_512 : memref<1x1x128x256xf32, #tpu.memory_space<hbm>> -> memref<128x256xf32, #tpu.memory_space<hbm>>
    tpu.wait_dma2 semaphore(%arg9 : memref<!tpu.dma_semaphore, #tpu.memory_space<semaphore_mem>>) src(%arg6 : memref<128x256xf32, #tpu.memory_space<vmem>>) dst(%dma_wait3A_513 : memref<128x256xf32, #tpu.memory_space<hbm>>)
    return
  }
}

module attributes {stable_mosaic.version = 14 : i64} {
  func.func @_copy_body(%arg0: i32, %arg1: i32, %arg2: memref<1x32x256x256xf32, #tpu.memory_space<vmem>>, %arg3: memref<1x32x256x256xf32, #tpu.memory_space<vmem>>) attributes {dimension_semantics = [#tpu.dimension_semantics<arbitrary>, #tpu.dimension_semantics<arbitrary>], iteration_bounds = array<i64: 3, 2>, scalar_prefetch = 0 : i64, scratch_operands = 0 : i64, tpu.core_type = #tpu.core_type<tc>, window_params = [{transform_indices = @transform_0, window_bounds = array<i64: 1, 32, 256, 256>}, {transform_indices = @transform_1, window_bounds = array<i64: 1, 32, 256, 256>}]} {
    %get3A = arith.constant 0 : index
    %get3A_0 = arith.constant 0 : index
    %get3A_1 = arith.constant 0 : index
    %get3A_2 = arith.constant 0 : index
    %get3A_3 = vector.load %arg2[%get3A, %get3A_0, %get3A_1, %get3A_2] : memref<1x32x256x256xf32, #tpu.memory_space<vmem>>, vector<1x32x256x256xf32>
    %swap3A = arith.constant 0 : index
    %swap3A_4 = arith.constant 0 : index
    %swap3A_5 = arith.constant 0 : index
    %swap3A_6 = arith.constant 0 : index
    %swap3A_7 = vector.load %arg3[%swap3A, %swap3A_4, %swap3A_5, %swap3A_6] : memref<1x32x256x256xf32, #tpu.memory_space<vmem>>, vector<1x32x256x256xf32>
    tpu.vector_store %arg3[%swap3A, %swap3A_4, %swap3A_5, %swap3A_6], %get3A_3 {strides = array<i32>} : memref<1x32x256x256xf32, #tpu.memory_space<vmem>>, vector<1x32x256x256xf32>,
    return
  }
  func.func @transform_0(%arg0: i32, %arg1: i32) -> (i32, i32, i32, i32) {
    %c0_i32 = arith.constant 0 : i32
    %c0_i32_0 = arith.constant 0 : i32
    %c0_i32_1 = arith.constant 0 : i32
    return %arg0, %arg1, %c0_i32, %c0_i32_0 : i32, i32, i32, i32
  }
  func.func @transform_1(%arg0: i32, %arg1: i32) -> (i32, i32, i32, i32) {
    %c0_i32 = arith.constant 0 : i32
    %c0_i32_0 = arith.constant 0 : i32
    %c0_i32_1 = arith.constant 0 : i32
    return %arg0, %arg1, %c0_i32, %c0_i32_0 : i32, i32, i32, i32
  }
}

</mosaic_0001>

<sc_bundles>
// kernel: kernel.4.cloned.1.call-start
scs
__scs_entry_jumppad:
0x0: {  	(pc) =	sbr.rel $0x88, $3  }
0x1: {  	(tag) =	ssettag $0x0;
	lr =	simm.s32 $0x1  }
0x2: {  	[smem:$0x3FA0] =	sst lr;
	_ =	strace $0xD0000000  }
0x3: {  	_ = 	snop  }
0x4: {  	_ = 	snop  }
0x5: {  	_ = 	snop  }
0x6: {  	_ = 	snop  }
0x7: {  	_ = 	snop  }
__scs_overlays_trampoline_lowered:
0x8: {  	[smem:$0x3FAF] =	sst s0  }
0x9: {  	[smem:$0x3FB0] =	sst s1  }
0xa: {  	[smem:$0x3FB1] =	sst s2  }
0xb: {  	[smem:$0x3FB2] =	sst s3  }
0xc: {  	[smem:$0x3FB3] =	sst s4  }
0xd: {  	[smem:$0x3FB4] =	sst s5  }
0xe: {  	[smem:$0x3FB5] =	sst s6  }
0xf: {  	[smem:$0x3FB6] =	sst s7  }
0x10: {  	[smem:$0x3FB7] =	sst s8  }
0x11: {  	[smem:$0x3FB8] =	sst s9;
	s0 =	simm.s32 @!p0 $0x0  }
0x12: {  	s1 =	sld [smem:$0x3F9E];
	s0 =	simm.s32 @p0 $0x1  }
0x13: {  	[smem:$0x3FB9] =	sst s0;
	s0 =	simm.s32 @!p1 $0x0  }
0x14: {  	s2 =	sld [smem:$0x3F9D];
	s0 =	simm.s32 @p1 $0x1  }
0x15: {  	[smem:$0x3FBA] =	sst s0;
	s0 =	simm.s32 @!p2 $0x0  }
0x16: {  	s3 =	sld [smem:$0x3FDB];
	s0 =	simm.s32 @p2 $0x1  }
0x17: {  	s4 =	simm.s32 $0x1BF5;
	[smem:$0x3FBC] =	sst s0  }
0x18: {  	s0 =	sld [smem:$0x3F9F];
	_ =	swait.ge [sflag:s4], $0x0  }
0x19: {  	s7 =	sld [smem:$0x3FA0]  }
0x1a: {  	s8 =	sadd.s32 $0xFFFFE003, lr  }
0x1b: {  	s9 =	sadd.s32 $0xFFFFFEF7, lr;
	s5 =	simm.s32 $0xFFFFFFFF;
	p2 =	slt.u32 s8, $0xFFFFF086  }
0x1c: {  	p1 =	slt.u32 s9, $0xF7A;
	s5 =	simm.s32 @!p2 $0x0  }
0x1d: {  	s5 =	simm.s32 @p1 $0x1;
	p0 =	seq.s32 s7, s2  }
0x1e: {  	s7 =	smul.u32 @!p0 $0xF7A, s2;
	p2 =	seq.s32 @!p0 s5, $0x0  }
0x1f: {  	s9 =	smul.u32 $0xF7A, s1;
	s8 =	simm.s32 @!p0 $0x1BF5;
	p2 =	por !p2, p0  }
0x20: {  	[sflag:s8] =	ssyncset.s32 @!p0 $0xFFFFF086;
	s6 =	sadd.s32 @!p0 s3, s7;
	s7 =	simm.s32 @!p0 $0x108  }
0x21: {  	s3 =	sadd.s32 s3, s9;
	s6 =	sadd.s32 @!p0 $0x88, s6;
	s7 =	simm.s32 @p2 $0x1082  }
0x22: {  	[simem:s7], [sflag:s8] =	dma.local @!p0 [hbm:s6], $0xF7A  }
0x23: {  	s9 =	sor.u32 $0xD0000000, s2;
	s6 =	simm.s32 $0x108;
	_ =	swait.ge @!p0 [sflag:s8], $0x0  }
0x24: {  	s3 =	sadd.s32 $0x88, s3;
	s6 =	simm.s32 @!p1 $0x1082;
	[sflag:s4] =	ssyncset.s32 $0xFFFFF086  }
0x25: {  	[simem:s6], [sflag:s4] =	dma.local [hbm:s3], $0xF7A  }
0x26: {  	[smem:$0x3FA0] =	sst s1;
	(tag) =	ssettag s2;
	_ =	strace s9  }
0x27: {  	s1 =	sld [smem:$0x3FB0]  }
0x28: {  	s2 =	sld [smem:$0x3FB1]  }
0x29: {  	s4 =	sld [smem:$0x3FB3]  }
0x2a: {  	p0 =	seq.s32 s5, $0x0;
	s5 =	sld [smem:$0x3FB4]  }
0x2b: {  	s6 =	sld [smem:$0x3FB5]  }
0x2c: {  	s7 =	sld [smem:$0x3FB6]  }
0x2d: {  	s3 =	simm.s32 $0x108;
	s8 =	sld [smem:$0x3FB7]  }
0x2e: {  	s3 =	simm.s32 @!p0 $0x1082;
	s9 =	sld [smem:$0x3FB8]  }
0x2f: {  	lr =	sadd.s32 s0, s3;
	s0 =	sld [smem:$0x3FAF]  }
0x30: {  	s3 =	sld [smem:$0x3FB2]  }
0x31: {  	[smem:$0x3FBB] =	sst s10  }
0x32: {  	s10 =	sld [smem:$0x3FB9];
	_ =	sdelay $0x3  }
0x33: {  	p0 =	seq.s32 s10, $0x1;
	s10 =	sld [smem:$0x3FBB];
	_ =	sdelay $0x3  }
0x34: {  	[smem:$0x3FBB] =	sst s10  }
0x35: {  	s10 =	sld [smem:$0x3FBA];
	_ =	sdelay $0x3  }
0x36: {  	p1 =	seq.s32 s10, $0x1;
	s10 =	sld [smem:$0x3FBB];
	_ =	sdelay $0x3  }
0x37: {  	[smem:$0x3FBB] =	sst s10  }
0x38: {  	s10 =	sld [smem:$0x3FBC]  }
0x39: {  	_ = 	snop;
	(pc) =	sbr.ind lr, $3  }
0x3a: {  	_ = 	snop  }
0x3b: {  	_ = 	snop  }
0x3c: {  	p2 =	seq.s32 s10, $0x1;
	s10 =	sld [smem:$0x3FBB]  }
0x3d: {  	_ =	shalt  }
0x3e: {  	_ =	shalt  }
0x3f: {  	_ =	shalt  }
0x40: {  	_ =	shalt  }
0x41: {  	_ =	shalt  }
0x42: {  	_ =	shalt  }
0x43: {  	_ =	shalt  }
0x44: {  	_ =	shalt  }
0x45: {  	_ =	shalt  }
0x46: {  	_ =	shalt  }
0x47: {  	_ =	shalt  }
0x48: {  	_ =	shalt  }
0x49: {  	_ =	shalt  }
0x4a: {  	_ =	shalt  }
0x4b: {  	_ =	shalt  }
0x4c: {  	_ =	shalt  }
0x4d: {  	_ =	shalt  }
0x4e: {  	_ =	shalt  }
0x4f: {  	_ =	shalt  }
0x50: {  	_ =	shalt  }
0x51: {  	_ =	shalt  }
0x52: {  	_ =	shalt  }
0x53: {  	_ =	shalt  }
0x54: {  	_ =	shalt  }
0x55: {  	_ =	shalt  }
0x56: {  	_ =	shalt  }
0x57: {  	_ =	shalt  }
0x58: {  	_ =	shalt  }
0x59: {  	_ =	shalt  }
0x5a: {  	_ =	shalt  }
0x5b: {  	_ =	shalt  }
0x5c: {  	_ =	shalt  }
0x5d: {  	_ =	shalt  }
0x5e: {  	_ =	shalt  }
0x5f: {  	_ =	shalt  }
0x60: {  	_ =	shalt  }
0x61: {  	_ =	shalt  }
0x62: {  	_ =	shalt  }
0x63: {  	_ =	shalt  }
0x64: {  	_ =	shalt  }
0x65: {  	_ =	shalt  }
0x66: {  	_ =	shalt  }
0x67: {  	_ =	shalt  }
0x68: {  	_ =	shalt  }
0x69: {  	_ =	shalt  }
0x6a: {  	_ =	shalt  }
0x6b: {  	_ =	shalt  }
0x6c: {  	_ =	shalt  }
0x6d: {  	_ =	shalt  }
0x6e: {  	_ =	shalt  }
0x6f: {  	_ =	shalt  }
0x70: {  	_ =	shalt  }
0x71: {  	_ =	shalt  }
0x72: {  	_ =	shalt  }
0x73: {  	_ =	shalt  }
0x74: {  	_ =	shalt  }
0x75: {  	_ =	shalt  }
0x76: {  	_ =	shalt  }
0x77: {  	_ =	shalt  }
0x78: {  	_ =	shalt  }
0x79: {  	_ =	shalt  }
0x7a: {  	_ =	shalt  }
0x7b: {  	_ =	shalt  }
0x7c: {  	_ =	shalt  }
0x7d: {  	_ =	shalt  }
0x7e: {  	_ =	shalt  }
0x7f: {  	_ =	shalt  }
0x80: {  	_ =	shalt  }
0x81: {  	_ =	shalt  }
0x82: {  	_ =	shalt  }
0x83: {  	_ =	shalt  }
0x84: {  	_ =	shalt  }
0x85: {  	_ =	shalt  }
0x86: {  	_ =	shalt  }
0x87: {  	_ =	shalt  }
.Lfunc_end0:
.L_simem_size_0:
called_computation_lowered:
.L_overlay_start_0:
0x88: {  	s2 =	sld [smem:$0x3FD9]  }
0x89: {  	s3 =	sld [smem:$0x3FFE];
	_ =	sdelay $0x1  }
0x8a: {  	s1 =	srdreg.scid  }
0x8b: {  	s0 =	sand.u32 $0x1, s1  }
0x8c: {  	s15 =	sshll.u32 s0, $0xA;
	s2 =	sadd.s32 s3, s2  }
0x8d: {  	s2 =	sadd.s32 s2, s15  }
0x8e: {  	[smem:$0x3FC7] =	sst s2  }
0x8f: {  	_ = 	snop  }
0x90: {  	s2 =	sld [smem:$0x3FD0];
	_ =	sdelay $0x2  }
0x91: {  	s4 =	simm.s32 $0xA;
	s5 =	simm.s32 $0x10;
	s16 =	sld [smem:$0x3FC9]  }
0x92: {  	[smem:s5], [sflag:s4] =	dma.local [hbm:s2], $0x1  }
0x93: {  	_ =	swait.eq [sflag:s4], $0x1  }
0x94: {  	[sflag:s4] =	ssyncset.done $0x0  }
0x95: {  	[sflag:s4] =	ssyncadd.s32 $0xFFFFFFFF  }
0x96: {  	s17 =	sld [smem:$0x10];
	(tm) =	ssettm $0x1  }
0x97: {  	s18 =	sld [smem:$0x3FFB];
	_ =	sdelay $0x3  }
0x98: {  	_ =	strace s18  }
0x99: {  	s4 =	sld [smem:$0x3FFC];
	_ =	sdelay $0x3  }
0x9a: {  	_ =	strace s4  }
0x9b: {  	s4 =	sld [smem:$0x3FFD];
	_ =	sdelay $0x3  }
0x9c: {  	_ =	strace s4  }
0x9d: {  	_ =	strace $0x8FFFFFFF  }
0x9e: {  	s19 =	sld [smem:$0x3FDB];
	_ =	sdelay $0x1  }
0x9f: {  	s20 =	simm.s32 $_scs_section_size  }
0xa0: {  	s6 =	simm.s32 $_size__tile_overlayer_lowered;
	s7 =	simm.s32 $_tile_overlayer_lowered  }
0xa1: {  	s23 =	simm.s32 $0x1BFF;
	s22 =	sshll.u32 s7, $0x1;
	s4 =	sadd.s32 s20, s19  }
0xa2: {  	s8 =	simm.s32 $0x0;
	s21 =	sshll.u32 s6, $0x1;
	s6 =	sadd.s32 s22, s4  }
0xa3: {  	[timem:s8], [sflag:s23] =	dma.local [hbm:s6], s21  }
0xa4: {  	_ =	swait.ge [sflag:s23], s21  }
0xa5: {  	s5 =	ssub.s32 $0x0, s21;
	[sflag:s23] =	ssyncset.done $0x0  }
0xa6: {  	[sflag:s23] =	ssyncadd.s32 s5;
	_ =	sdelay $0x1  }
0xa7: {  	s24 =	simm.s32 $0x1B8B  }
0xa8: {  	_ =	swait.ge [sflag:s24], $0x1  }
0xa9: {  	[sflag:s24] =	ssyncset.done $0x0  }
0xaa: {  	s25 =	simm.s32 $0x1B8E;
	[sflag:s24] =	ssyncadd.s32 $0xFFFFFFFF  }
0xab: {  	s26 =	simm.s32 $execute0_lowered;
	[smem:$0x3FD2] =	sst s25  }
0xac: {  	s5 =	sshll.u32 s26, $0x1;
	_ =	strace $0x80000046;
	[dreg:$0x1] =	wrdreg $0xFFFFFFFF  }
0xad: {  	s28 =	simm.s32 $_size_execute0_lowered;
	s4 =	sadd.s32 s4, s5;
	[dreg:$0x0] =	wrdreg $0x0  }
0xae: {  	s5 =	sshll.u32 s28, $0x1;
	[dreg:$0x2] =	wrdreg s4  }
0xaf: {  	[dreg:$0x3] =	wrdreg s5  }
0xb0: {  	[dreg:$0x4] =	wrdreg $0xC0  }
0xb1: {  	_ =	task [dreg:s8], $0x5FFFF  }
0xb2: {  	[dreg:$0x1] =	wrdreg $0xFFFFFFFF  }
0xb3: {  	[dreg:$0x0] =	wrdreg $0x60  }
0xb4: {  	[dreg:$0x2] =	wrdreg s16  }
0xb5: {  	[dreg:$0x3] =	wrdreg s17  }
0xb6: {  	[dreg:$0x4] =	wrdreg $0x9  }
0xb7: {  	_ =	task.clear_ibuf [dreg:s8], $0x5FFFF;
	_ =	strace $0x90000046  }
0xb8: {  	s29 =	simm.s32 $0x9;
	_ =	strace $0x80000048  }
0xb9: {  	_ =	swait.ge [sflag:s29], $0x1  }
0xba: {  	[sflag:s29] =	ssyncadd.s32 $0xFFFFFFFF  }
0xbb: {  	_ =	strace $0x90000048  }
0xbc: {  	_ =	sfence  }
0xbd: {  	s30 =	sld [smem:$0x0];
	_ =	sdelay $0x2  }
0xbe: {  	s31 =	sshll.u32 s1, $0xD;
	s1 =	sshrl.u32 s1, $0x2  }
0xbf: {  	s3 =	sand.u32 $0x4000, s31;
	s1 =	sadd.s32 s1, s30  }
0xc0: {  	s0 =	sor.u32 s3, s0;
	s1 =	sshll.u32 s1, $0x11  }
0xc1: {  	s0 =	sor.u32 s1, s0  }
0xc2: {  	s0 =	sadd.s32 $0x8F2B, s0  }
0xc3: {  	[sflag:s0] =	ssyncadd.remote.s32 $0x1  }
0xc4: {  	_ =	sfence.sel $0xFFFF  }
0xc5: {  	[dreg:$0x0] =	wrdreg $0xFFFFFFFF;
	(pc) =	sbr.abs _section_cstart, $3  }
0xc6: {  	[dreg:$0x1] =	wrdreg $0xFFFFFFFF  }
0xc7: {  	_ =	task.clear_ibuf [dreg:s8], $0x2FFFF;
	_ =	strace $0x9FFFFFFF  }
0xc8: {  	(tm) =	ssettm $0x7FFFFFFF  }
0xc9: {  	_ =	shalt  }
tec
execute0_lowered:
.L_overlay_start_1:
0x0: {  	(tag) =	ssettag $0x1  }
0x1: {  	s1 =	srdreg.scid;
	s4 =	rddreg [dreg:$0x0]  }
0x2: {  	s0 =	stileid.u32;
	s5 =	rddreg [dreg:$0x1]  }
0x3: {  	s6 =	simm.s32 $0x40000;
	s3 =	sand.u32 $0x1, s1;
	s21 =	sshll.u32 s0, $0x1  }
0x4: {  	s2 =	simm.s32 $0x0;
	s10 =	simm.s32 $0x40000;
	s1 =	sor.u32 s3, s21  }
0x5: {  	s12 =	simm.s32 $0x40000;
	s8 =	ssub.s32 $0x2, s3;
	s14 =	smul.u32 $0x3, s1  }
0x6: {  	[smem:$0x7FF] =	sst s2;
	s17 =	sshll.u32 s3, $0xF;
	s9 =	sshrl.u32 s8, $0x1  }
0x7: {  	s8 =	ssub.s32 s8, s9;
	s1 =	sshrl.u32 s14, $0x1;
	s22 =	sshrl.u32 s14, $0x5  }
0x8: {  	s13 =	sadd.s32 $0x1, s14;
	s15 =	sadd.s32 $0x2, s14;
	s8 =	smax.u32 s8, $0x1  }
0x9: {  	s7 =	sand.u32 $0xF, s1;
	s1 =	rddreg [dreg:$0x2];
	_ =	strace $0x80000047  }
0xa: {  	s11 =	sshrl.u32 s13, $0x1;
	s14 =	sshrl.u32 s15, $0x1;
	p0 =	seq.s32 s7, $0x1  }
0xb: {  	s16 =	sshrl.u32 s13, $0x5;
	s6 =	simm.s32 @!p0 $0x0;
	p0 =	seq.s32 s7, $0x2  }
0xc: {  	s23 =	sshll.u32 s22, $0x16;
	s6 =	simm.s32 @p0 $0x80000;
	p0 =	seq.s32 s7, $0x3  }
0xd: {  	s15 =	sshrl.u32 s15, $0x5;
	s6 =	simm.s32 @p0 $0xC0000;
	p0 =	seq.s32 s7, $0x4  }
0xe: {  	s24 =	sshll.u32 s13, $0xF;
	s6 =	simm.s32 @p0 $0x100000;
	p0 =	seq.s32 s7, $0x5  }
0xf: {  	s9 =	sshll.u32 s22, $0x14;
	s6 =	simm.s32 @p0 $0x150000;
	p0 =	seq.s32 s7, $0x6  }
0x10: {  	s11 =	sand.u32 $0xF, s11;
	s6 =	simm.s32 @p0 $0x190000;
	p0 =	seq.s32 s7, $0x7  }
0x11: {  	p1 =	seq.s32 s7, $0xE;
	s6 =	simm.s32 @p0 $0x1D0000;
	p0 =	seq.s32 s7, $0x8  }
0x12: {  	s14 =	sand.u32 $0xF, s14;
	s6 =	simm.s32 @p0 $0x210000;
	p0 =	seq.s32 s7, $0x9  }
0x13: {  	s3 =	sor.u32 s17, s23;
	s6 =	simm.s32 @p0 $0x250000;
	p0 =	seq.s32 s7, $0xA  }
0x14: {  	s20 =	sand.u32 $0x8000, s24;
	s6 =	simm.s32 @p0 $0x2A0000;
	p0 =	seq.s32 s7, $0xB  }
0x15: {  	s25 =	sshll.u32 s16, $0x16;
	s6 =	simm.s32 @p0 $0x2E0000;
	p0 =	seq.s32 s7, $0xC  }
0x16: {  	s26 =	sshll.u32 s15, $0x16;
	s6 =	simm.s32 @p0 $0x320000;
	p0 =	seq.s32 s7, $0xD  }
0x17: {  	s16 =	sshll.u32 s16, $0x14;
	s6 =	simm.s32 @p0 $0x360000;
	p0 =	seq.s32 s11, $0x1  }
0x18: {  	s15 =	sshll.u32 s15, $0x14;
	s21 =	sor.u32 s17, s26;
	s12 =	simm.s32 @!p0 $0x0  }
0x19: {  	p0 =	seq.s32 s11, $0x2;
	s6 =	simm.s32 @p1 $0x3A0000;
	p1 =	seq.s32 s7, $0xF  }
0x1a: {  	s7 =	sshll.u32 s7, $0x10;
	s12 =	simm.s32 @p0 $0x80000;
	p0 =	seq.s32 s11, $0x3  }
0x1b: {  	s6 =	simm.s32 @p1 $0x3F0000;
	p1 =	seq.s32 s14, $0x1;
	s7 =	sor.u32 s9, s7  }
0x1c: {  	s12 =	simm.s32 @p0 $0xC0000;
	p0 =	seq.s32 s11, $0x4;
	s10 =	simm.s32 @!p1 $0x0  }
0x1d: {  	p1 =	seq.s32 s11, $0xA;
	s18 =	sadd.s32 s6, s3;
	s19 =	sand.u32 $0x7, s6  }
0x1e: {  	s3 =	sadd.s32 $0x3FEA, s0;
	s12 =	simm.s32 @p0 $0x100000;
	p0 =	seq.s32 s11, $0x5  }
0x1f: {  	s6 =	sor.u32 s25, s20;
	s12 =	simm.s32 @p0 $0x150000;
	p0 =	seq.s32 s11, $0x6  }
0x20: {  	s7 =	sor.u32 s17, s7;
	s12 =	simm.s32 @p0 $0x190000;
	p0 =	seq.s32 s11, $0x7  }
0x21: {  	s18 =	sshrl.u32 s18, $0x3;
	s12 =	simm.s32 @p0 $0x1D0000;
	p0 =	seq.s32 s11, $0x8  }
0x22: {  	s7 =	sshrl.u32 s7, $0x3;
	s12 =	simm.s32 @p0 $0x210000;
	p0 =	seq.s32 s11, $0x9  }
0x23: {  	p2 =	seq.s32 s19, $0x0;
	s12 =	simm.s32 @p0 $0x250000;
	p0 =	seq.s32 s14, $0x2  }
0x24: {  	s13 =	sadd.s32 s4, s18;
	s10 =	simm.s32 @p0 $0x80000;
	p0 =	seq.s32 s14, $0x3  }
0x25: {  	s12 =	simm.s32 @p1 $0x2A0000;
	p1 =	seq.s32 s11, $0xB;
	s10 =	simm.s32 @p0 $0xC0000  }
0x26: {  	p0 =	seq.s32 s14, $0x4;
	s12 =	simm.s32 @p1 $0x2E0000;
	p1 =	seq.s32 s11, $0xC  }
0x27: {  	s10 =	simm.s32 @p0 $0x100000;
	p0 =	seq.s32 s14, $0x5;
	s12 =	simm.s32 @p1 $0x320000  }
0x28: {  	p1 =	seq.s32 s11, $0xD;
	s10 =	simm.s32 @p0 $0x150000;
	p0 =	seq.s32 s14, $0x6  }
0x29: {  	s12 =	simm.s32 @p1 $0x360000;
	p1 =	seq.s32 s11, $0xE;
	s10 =	simm.s32 @p0 $0x190000  }
0x2a: {  	p0 =	seq.s32 s14, $0x7;
	s12 =	simm.s32 @p1 $0x3A0000;
	p1 =	seq.s32 s11, $0xF  }
0x2b: {  	s11 =	sshll.u32 s11, $0x10;
	s10 =	simm.s32 @p0 $0x1D0000;
	p0 =	seq.s32 s14, $0x8  }
0x2c: {  	s12 =	simm.s32 @p1 $0x3F0000;
	s29 =	sor.u32 s16, s11;
	s10 =	simm.s32 @p0 $0x210000  }
0x2d: {  	p0 =	seq.s32 s14, $0x9;
	s6 =	sadd.s32 s12, s6;
	s12 =	sand.u32 $0x7, s12  }
0x2e: {  	s9 =	sor.u32 s20, s29;
	s10 =	simm.s32 @p0 $0x250000;
	p0 =	seq.s32 s14, $0xA  }
0x2f: {  	s6 =	sshrl.u32 s6, $0x3;
	s10 =	simm.s32 @p0 $0x2A0000;
	p0 =	seq.s32 s14, $0xB  }
0x30: {  	s9 =	sshrl.u32 s9, $0x3;
	s10 =	simm.s32 @p0 $0x2E0000;
	p0 =	seq.s32 s14, $0xC  }
0x31: {  	p1 =	seq.s32 s12, $0x0;
	s10 =	simm.s32 @p0 $0x320000;
	p0 =	seq.s32 s14, $0xD  }
0x32: {  	s12 =	simm.s32 $0x10000;
	s10 =	simm.s32 @p0 $0x360000;
	p0 =	seq.s32 s14, $0xE  }
0x33: {  	s10 =	simm.s32 @p0 $0x3A0000;
	p0 =	seq.s32 s14, $0xF;
	s14 =	sshll.u32 s14, $0x10  }
0x34: {  	s6 =	sadd.s32 s4, s6;
	s10 =	simm.s32 @p0 $0x3F0000;
	s30 =	sor.u32 s15, s14  }
0x35: {  	s14 =	simm.s32 $0x8000;
	s15 =	sadd.s32 $0xFFFFFFFF, s8;
	s11 =	sor.u32 s17, s30  }
0x36: {  	p4 =	sne.s32 s15, $0x0;
	s31 =	sshrl.u32 s11, $0x3;
	s11 =	sadd.s32 s5, s7  }
.Ltmp0:
0x37: {  	s7 =	sadd.s32 s5, s9;
	s9 =	sld [smem:$0x7FF];
	(pc) =	sbr.rel @!p4 .LBB2_3-.Ltmp0, $4  }
0x38: {  	s8 =	simm.s32 $0x2;
	s28 =	sadd.s32 s10, s21;
	s10 =	sand.u32 $0x7, s10  }
0x39: {  	s18 =	sshrl.u32 s28, $0x3;
	p0 =	seq.s32 s10, $0x0;
	s10 =	simm.s32 $0x1  }
0x3a: {  	s4 =	sadd.s32 s4, s18;
	s5 =	sadd.s32 s5, s31;
	p3 =	sne.s32 @!p2 s9, $0x1  }
0x3b: {  	s9 =	simm.s32 $0x3;
	p5 =	por !p3, p2;
	p3 =	por $0x0, $0x0  }
0x3c: {  	s16 =	sor.u32 @!p5 $0x100000, s3  }
0x3d: {  	[smem:s16], [sflag:$0x0] =	smem.add.s32 @!p5 $0x1E1;
	s16 =	simm.s32 @!p5 $0x0  }
0x3e: {  	s17 =	simm.s32 @!p5 $0x1;
	_ =	swait.done @!p5 [sflag:s16]  }
0x3f: {  	[smem:$0x7FF] =	sst @!p5 s17  }
0x40: {  	_ =	sint @!p5 $0x2  }
0x41: {  	_ =	swait.notdone @!p5 [sflag:s16]  }
0x42: {  	s16 =	sld [smem:$0x7FF];
	_ =	sdelay $0x1  }
0x43: {  	[tilespmem:s2], [sflag:$0x1] =	stream.linear.gather [hbm4b:s13+s2], $0x8000, $0x38;
	[tilespmem:$0x18000] =	vst v63  }
0x44: {  	p3 =	sne.s32 @!p1 s16, $0x1  }
0x45: {  	p3 =	por !p3, p1  }
0x46: {  	s16 =	sor.u32 @!p3 $0x100000, s3  }
0x47: {  	[smem:s16], [sflag:$0x0] =	smem.add.s32 @!p3 $0x1E1;
	s16 =	simm.s32 @!p3 $0x0  }
0x48: {  	s17 =	simm.s32 @!p3 $0x1;
	_ =	swait.done @!p3 [sflag:s16]  }
0x49: {  	[smem:$0x7FF] =	sst @!p3 s17  }
0x4a: {  	_ =	sint @!p3 $0x2  }
0x4b: {  	_ =	swait.notdone @!p3 [sflag:s16]  }
0x4c: {  	s16 =	sld [smem:$0x7FF];
	_ =	sdelay $0x1  }
0x4d: {  	[tilespmem:s14], [sflag:$0x2] =	stream.linear.gather [hbm4b:s6+s2], $0x8000, $0x38;
	[tilespmem:$0x18000] =	vst v63  }
0x4e: {  	p3 =	sne.s32 @!p0 s16, $0x1  }
0x4f: {  	p3 =	por !p3, p0  }
0x50: {  	s16 =	sor.u32 @!p3 $0x100000, s3  }
0x51: {  	[smem:s16], [sflag:$0x0] =	smem.add.s32 @!p3 $0x1E1;
	s16 =	simm.s32 @!p3 $0x0  }
0x52: {  	s17 =	simm.s32 @!p3 $0x1;
	_ =	swait.done @!p3 [sflag:s16]  }
0x53: {  	[smem:$0x7FF] =	sst @!p3 s17  }
0x54: {  	_ =	sint @!p3 $0x2  }
0x55: {  	_ =	swait.notdone @!p3 [sflag:s16]  }
0x56: {  	[tilespmem:s12], [sflag:$0x3] =	stream.linear.gather [hbm4b:s4+s2], $0x8000, $0x38;
	[tilespmem:$0x18000] =	vst v63  }
0x57: {  	_ =	swait.ge [sflag:s10], $0x8000  }
0x58: {  	[sflag:s10] =	ssyncset.done $0x0  }
0x59: {  	[sflag:s10] =	ssyncadd.s32 $0xFFFF8000  }
0x5a: {  	[hbm4b:s11+s2] =	stream.linear.scatter [tilespmem:s2], [sflag:$0x1], $0x8000, $0x38;
	[tilespmem:$0x18000] =	vst v63  }
0x5b: {  	_ =	swait.ge [sflag:s8], $0x8000  }
0x5c: {  	[sflag:s8] =	ssyncset.done $0x0  }
0x5d: {  	[sflag:s8] =	ssyncadd.s32 $0xFFFF8000  }
0x5e: {  	[hbm4b:s7+s2] =	stream.linear.scatter [tilespmem:s14], [sflag:$0x2], $0x8000, $0x38;
	[tilespmem:$0x18000] =	vst v63  }
0x5f: {  	_ =	swait.ge [sflag:s9], $0x8000  }
0x60: {  	[sflag:s9] =	ssyncset.done $0x0  }
0x61: {  	[sflag:s9] =	ssyncadd.s32 $0xFFFF8000  }
0x62: {  	[hbm4b:s5+s2] =	stream.linear.scatter [tilespmem:s12], [sflag:$0x3], $0x8000, $0x38;
	[tilespmem:$0x18000] =	vst v63  }
0x63: {  	_ =	swait.ge [sflag:s10], $0x8000  }
0x64: {  	s15 =	sadd.s32 $0xFFFFFFFF, s15;
	[sflag:s10] =	ssyncset.done $0x0  }
0x65: {  	p4 =	sne.s32 s15, $0x0;
	[sflag:s10] =	ssyncadd.s32 $0xFFFF8000  }
.Ltmp1:
0x66: {  	s16 =	sld [smem:$0x7FF];
	_ =	swait.ge [sflag:s8], $0x8000;
	(pc) =	sbr.rel @!p4 .LBB2_3-.Ltmp1, $4  }
0x67: {  	[sflag:s8] =	ssyncset.done $0x0  }
0x68: {  	[sflag:s8] =	ssyncadd.s32 $0xFFFF8000  }
0x69: {  	p3 =	sne.s32 @!p2 s16, $0x1;
	_ =	swait.ge [sflag:s9], $0x8000  }
0x6a: {  	p5 =	por !p3, p2;
	p3 =	por $0x1, $0x1;
	[sflag:s9] =	ssyncset.done $0x0  }
.LBB2_2:
0x6b: {  	s15 =	sadd.s32 $0xFFFFFFFF, s15;
	s16 =	sor.u32 @!p5 $0x100000, s3;
	[sflag:s9] =	ssyncadd.s32 $0xFFFF8000  }
0x6c: {  	p4 =	sne.s32 s15, $0x0;
	[smem:s16], [sflag:$0x0] =	smem.add.s32 @!p5 $0x1E1;
	s16 =	simm.s32 @!p5 $0x0  }
0x6d: {  	s17 =	simm.s32 @!p5 $0x1;
	_ =	swait.done @!p5 [sflag:s16]  }
0x6e: {  	[smem:$0x7FF] =	sst @!p5 s17  }
0x6f: {  	_ =	sint @!p5 $0x2  }
0x70: {  	_ =	swait.notdone @!p5 [sflag:s16]  }
0x71: {  	s16 =	sld [smem:$0x7FF]  }
0x72: {  	[tilespmem:s2], [sflag:$0x1] =	stream.linear.gather [hbm4b:s13+s2], $0x8000, $0x38;
	[tilespmem:$0x18000] =	vst v63  }
0x73: {  	_ = 	snop  }
0x74: {  	p5 =	sne.s32 @!p1 s16, $0x1  }
0x75: {  	p5 =	por !p5, p1  }
0x76: {  	s16 =	sor.u32 @!p5 $0x100000, s3  }
0x77: {  	[smem:s16], [sflag:$0x0] =	smem.add.s32 @!p5 $0x1E1;
	s16 =	simm.s32 @!p5 $0x0  }
0x78: {  	s17 =	simm.s32 @!p5 $0x1;
	_ =	swait.done @!p5 [sflag:s16]  }
0x79: {  	[smem:$0x7FF] =	sst @!p5 s17  }
0x7a: {  	_ =	sint @!p5 $0x2  }
0x7b: {  	_ =	swait.notdone @!p5 [sflag:s16]  }
0x7c: {  	s16 =	sld [smem:$0x7FF]  }
0x7d: {  	[tilespmem:s14], [sflag:$0x2] =	stream.linear.gather [hbm4b:s6+s2], $0x8000, $0x38;
	[tilespmem:$0x18000] =	vst v63  }
0x7e: {  	_ = 	snop  }
0x7f: {  	p5 =	sne.s32 @!p0 s16, $0x1  }
0x80: {  	p5 =	por !p5, p0  }
0x81: {  	s16 =	sor.u32 @!p5 $0x100000, s3  }
0x82: {  	[smem:s16], [sflag:$0x0] =	smem.add.s32 @!p5 $0x1E1;
	s16 =	simm.s32 @!p5 $0x0  }
0x83: {  	s17 =	simm.s32 @!p5 $0x1;
	_ =	swait.done @!p5 [sflag:s16]  }
0x84: {  	[smem:$0x7FF] =	sst @!p5 s17  }
0x85: {  	_ =	sint @!p5 $0x2  }
0x86: {  	_ =	swait.notdone @!p5 [sflag:s16]  }
0x87: {  	[tilespmem:s12], [sflag:$0x3] =	stream.linear.gather [hbm4b:s4+s2], $0x8000, $0x38;
	[tilespmem:$0x18000] =	vst v63  }
0x88: {  	_ =	swait.ge [sflag:s10], $0x8000  }
0x89: {  	[sflag:s10] =	ssyncset.done $0x0  }
0x8a: {  	[sflag:s10] =	ssyncadd.s32 $0xFFFF8000  }
0x8b: {  	[hbm4b:s11+s2] =	stream.linear.scatter [tilespmem:s2], [sflag:$0x1], $0x8000, $0x38;
	[tilespmem:$0x18000] =	vst v63  }
0x8c: {  	_ =	swait.ge [sflag:s8], $0x8000  }
0x8d: {  	[sflag:s8] =	ssyncset.done $0x0  }
0x8e: {  	[sflag:s8] =	ssyncadd.s32 $0xFFFF8000  }
0x8f: {  	[hbm4b:s7+s2] =	stream.linear.scatter [tilespmem:s14], [sflag:$0x2], $0x8000, $0x38;
	[tilespmem:$0x18000] =	vst v63  }
0x90: {  	_ =	swait.ge [sflag:s9], $0x8000  }
0x91: {  	[sflag:s9] =	ssyncset.done $0x0  }
0x92: {  	[sflag:s9] =	ssyncadd.s32 $0xFFFF8000  }
0x93: {  	[hbm4b:s5+s2] =	stream.linear.scatter [tilespmem:s12], [sflag:$0x3], $0x8000, $0x38;
	[tilespmem:$0x18000] =	vst v63  }
0x94: {  	_ =	swait.ge [sflag:s10], $0x8000  }
0x95: {  	[sflag:s10] =	ssyncset.done $0x0  }
0x96: {  	[sflag:s10] =	ssyncadd.s32 $0xFFFF8000  }
.Ltmp2:
0x97: {  	s16 =	sld [smem:$0x7FF];
	_ =	swait.ge [sflag:s8], $0x8000;
	(pc) =	sbr.rel @p4 .LBB2_2-.Ltmp2, $4  }
0x98: {  	[sflag:s8] =	ssyncset.done $0x0  }
0x99: {  	[sflag:s8] =	ssyncadd.s32 $0xFFFF8000  }
0x9a: {  	p5 =	sne.s32 @!p2 s16, $0x1;
	_ =	swait.ge [sflag:s9], $0x8000  }
0x9b: {  	p5 =	por !p5, p2;
	[sflag:s9] =	ssyncset.done $0x0  }
.LBB2_3:
0x9c: {  	s15 =	sor.u32 @!p5 $0x100000, s3;
	[sflag:s9] =	ssyncadd.s32 @p3 $0xFFFF8000  }
0x9d: {  	[smem:s15], [sflag:$0x0] =	smem.add.s32 @!p5 $0x1E1;
	s15 =	simm.s32 @!p5 $0x0  }
0x9e: {  	s16 =	simm.s32 @!p5 $0x1;
	_ =	swait.done @!p5 [sflag:s15]  }
0x9f: {  	[smem:$0x7FF] =	sst @!p5 s16  }
0xa0: {  	_ =	sint @!p5 $0x2  }
0xa1: {  	_ =	swait.notdone @!p5 [sflag:s15]  }
0xa2: {  	s15 =	sld [smem:$0x7FF];
	_ =	sdelay $0x1  }
0xa3: {  	[tilespmem:s2], [sflag:$0x1] =	stream.linear.gather [hbm4b:s13+s2], $0x8000, $0x38;
	[tilespmem:$0x18000] =	vst v63  }
0xa4: {  	p2 =	sne.s32 @!p1 s15, $0x1  }
0xa5: {  	p1 =	por !p2, p1  }
0xa6: {  	s13 =	sor.u32 @!p1 $0x100000, s3  }
0xa7: {  	[smem:s13], [sflag:$0x0] =	smem.add.s32 @!p1 $0x1E1;
	s13 =	simm.s32 @!p1 $0x0  }
0xa8: {  	s15 =	simm.s32 @!p1 $0x1;
	_ =	swait.done @!p1 [sflag:s13]  }
0xa9: {  	[smem:$0x7FF] =	sst @!p1 s15  }
0xaa: {  	_ =	sint @!p1 $0x2  }
0xab: {  	_ =	swait.notdone @!p1 [sflag:s13]  }
0xac: {  	s13 =	sld [smem:$0x7FF];
	_ =	sdelay $0x1  }
0xad: {  	[tilespmem:s14], [sflag:$0x2] =	stream.linear.gather [hbm4b:s6+s2], $0x8000, $0x38;
	[tilespmem:$0x18000] =	vst v63  }
0xae: {  	p1 =	sne.s32 @!p0 s13, $0x1  }
0xaf: {  	p0 =	por !p1, p0  }
0xb0: {  	s3 =	sor.u32 @!p0 $0x100000, s3  }
0xb1: {  	[smem:s3], [sflag:$0x0] =	smem.add.s32 @!p0 $0x1E1;
	s3 =	simm.s32 @!p0 $0x0  }
0xb2: {  	s6 =	simm.s32 @!p0 $0x1;
	_ =	swait.done @!p0 [sflag:s3]  }
0xb3: {  	[smem:$0x7FF] =	sst @!p0 s6  }
0xb4: {  	_ =	sint @!p0 $0x2  }
0xb5: {  	_ =	swait.notdone @!p0 [sflag:s3]  }
0xb6: {  	[tilespmem:s12], [sflag:$0x3] =	stream.linear.gather [hbm4b:s4+s2], $0x8000, $0x38;
	[tilespmem:$0x18000] =	vst v63  }
0xb7: {  	_ =	swait.ge [sflag:s10], $0x8000  }
0xb8: {  	[sflag:s10] =	ssyncset.done $0x0  }
0xb9: {  	[sflag:s10] =	ssyncadd.s32 $0xFFFF8000  }
0xba: {  	[hbm4b:s11+s2] =	stream.linear.scatter [tilespmem:s2], [sflag:$0x1], $0x8000, $0x38;
	[tilespmem:$0x18000] =	vst v63  }
0xbb: {  	_ =	swait.ge [sflag:s8], $0x8000  }
0xbc: {  	[sflag:s8] =	ssyncset.done $0x0  }
0xbd: {  	[sflag:s8] =	ssyncadd.s32 $0xFFFF8000  }
0xbe: {  	[hbm4b:s7+s2] =	stream.linear.scatter [tilespmem:s14], [sflag:$0x2], $0x8000, $0x38;
	[tilespmem:$0x18000] =	vst v63  }
0xbf: {  	_ =	swait.ge [sflag:s9], $0x8000  }
0xc0: {  	[sflag:s9] =	ssyncset.done $0x0  }
0xc1: {  	[sflag:s9] =	ssyncadd.s32 $0xFFFF8000  }
0xc2: {  	[hbm4b:s5+s2] =	stream.linear.scatter [tilespmem:s12], [sflag:$0x3], $0x8000, $0x38;
	[tilespmem:$0x18000] =	vst v63  }
0xc3: {  	_ =	swait.ge [sflag:s10], $0x8000  }
0xc4: {  	[sflag:s10] =	ssyncset.done $0x0  }
0xc5: {  	[sflag:s10] =	ssyncadd.s32 $0xFFFF8000  }
0xc6: {  	_ =	swait.ge [sflag:s8], $0x8000  }
0xc7: {  	[sflag:s8] =	ssyncset.done $0x0  }
0xc8: {  	[sflag:s8] =	ssyncadd.s32 $0xFFFF8000  }
0xc9: {  	_ =	swait.ge [sflag:s9], $0x8000  }
0xca: {  	[sflag:s9] =	ssyncset.done $0x0  }
0xcb: {  	[sflag:s9] =	ssyncadd.s32 $0xFFFF8000  }
0xcc: {  	_ =	sfence.sel $0x180000  }
0xcd: {  	[bflag:$0x0] =	sbarrier.arrive $0xFFFF  }
0xce: {  	p0 =	sne.s32 s0, $0x0;
	_ =	strace $0x90000047  }
0xcf: {  	s0 =	sadd.s32 @!p0 $0x100000, s1;
	[bflag:$0x2] =	sbarrier.arrive $0xFFFF  }
0xd0: {  	[sflag:s0] =	ssyncadd.tile.s32 @!p0 $0x1;
	_ =	shalt  }
.Lfunc_end2:
_tile_overlayer_lowered:
.L_overlay_start_2:
0xd1: {  	(tag) =	ssettag $0x2  }
0xd2: {  	s0 =	rddreg [dreg:$0x0];
	s2 =	stileid.u32  }
0xd3: {  	s1 =	rddreg [dreg:$0x1];
	p0 =	sne.s32 s2, $0x0  }
0xd4: {  	s3 =	rddreg [dreg:$0x2];
	[bflag:$0x3] =	sbarrier.arrive $0xFFFF;
	s2 =	simm.s32 @!p0 $0x1C04  }
0xd5: {  	[timem:s3], [sflag:s2] =	dma.local @!p0 [hbm:s0], s1  }
0xd6: {  	s0 =	simm.s32 @!p0 $0x4  }
0xd7: {  	_ =	swait.ge @!p0 [sflag:s0], s1  }
0xd8: {  	s1 =	ssub.s32 @!p0 $0x0, s1;
	[sflag:s0] =	ssyncset.done @!p0 $0x0  }
0xd9: {  	[sflag:s0] =	ssyncadd.s32 @!p0 s1  }
0xda: {  	[bflag:$0x3] =	sbarrier.arrive $0xFFFF  }
0xdb: {  	_ =	shalt  }

</sc_bundles>
